<compile_context>
chip_gen: v7x
topology: tpu7x:2x2x1
jax: 0.10.2.dev20260603
libtpu: 0.0.44.dev20260713+nightly
codegen_flags: <defaults>
</compile_context>

<pallas_src>
import functools

import jax
import jax.numpy as jnp
from jax import lax
from jax.experimental import pallas as pl
from jax.experimental.pallas import tpu as pltpu
from jax.experimental.pallas import tpu_sc as plsc

N = 10000
D = 128
H = 128
G = 64
E = 320000
SCALE = 20.0

NT = 16
C = 128
S = 160
NBUF = 4
EPAD = NT * S * C
NPAD = 10112
DUMMY = 10111
ROWS_Z = NPAD // 16

_PREC = jax.lax.Precision.DEFAULT



def _split_store(o_ref, z):
    o_ref[0] = z[:, :G]
    o_ref[1] = z[:, G:]


def _proj_body(x_ref, w_ref, b_ref, o_ref):
    z = (
        jnp.dot(x_ref[...], w_ref[...], preferred_element_type=jnp.float32,
                precision=_PREC)
        + b_ref[...]
    )
    _split_store(o_ref, z)


def _gin_mlp_body(h_ref, agg_ref, wa_ref, ba_ref, g_ref, be_ref, wb_ref,
                  bb_ref, o_ref, *, relu_out):
    h = jnp.concatenate([h_ref[0], h_ref[1]], axis=1)
    agg = jnp.concatenate([agg_ref[0, :N, :], agg_ref[1, :N, :]], axis=1)
    z = h + agg
    z = jnp.dot(z, wa_ref[...], preferred_element_type=jnp.float32,
                precision=_PREC) + ba_ref[...]
    mu = jnp.mean(z, axis=0, keepdims=True)
    zc = z - mu
    var = jnp.mean(zc * zc, axis=0, keepdims=True)
    z = zc * lax.rsqrt(var + 1e-5) * g_ref[...] + be_ref[...]
    z = jnp.maximum(z, 0.0)
    z = jnp.dot(z, wb_ref[...], preferred_element_type=jnp.float32,
                precision=_PREC) + bb_ref[...]
    col_mean = jnp.mean(z, axis=0, keepdims=True)
    rownorm = jnp.sqrt(1e-6 + jnp.sum(z * z, axis=1, keepdims=True))
    z = SCALE * z / rownorm - col_mean
    if relu_out:
        z = jnp.maximum(z, 0.0)
        _split_store(o_ref, z)
    else:
        o_ref[...] = z


_proj = pl.pallas_call(
    _proj_body,
    out_shape=jax.ShapeDtypeStruct((2, N, G), jnp.float32),
)

_gin_mlp_relu = pl.pallas_call(
    functools.partial(_gin_mlp_body, relu_out=True),
    out_shape=jax.ShapeDtypeStruct((2, N, G), jnp.float32),
)

_gin_mlp_final = pl.pallas_call(
    functools.partial(_gin_mlp_body, relu_out=False),
    out_shape=jax.ShapeDtypeStruct((N, H), jnp.float32),
)



_sc_mesh = plsc.VectorSubcoreMesh(core_axis_name="c", subcore_axis_name="s")


@functools.partial(
    pl.kernel,
    out_type=jax.ShapeDtypeStruct((2, NPAD, G), jnp.float32),
    mesh=_sc_mesh,
    compiler_params=pltpu.CompilerParams(use_tc_tiling_on_sc=False),
    scratch_types=[
        pltpu.VMEM((S * C,), jnp.int32),
        pltpu.VMEM((S, C), jnp.int32),
        pltpu.VMEM((C, G), jnp.float32),
        pltpu.VMEM((C, G), jnp.float32),
        pltpu.VMEM((C, G), jnp.float32),
        pltpu.VMEM((C, G), jnp.float32),
        pltpu.VMEM_SHARED((NPAD, G), jnp.float32),
        pltpu.SemaphoreType.DMA,
        pltpu.SemaphoreType.DMA,
        pltpu.SemaphoreType.DMA,
        pltpu.SemaphoreType.DMA,
        pltpu.SemaphoreType.DMA,
        pltpu.SemaphoreType.DMA,
        pltpu.SemaphoreType.DMA,
        pltpu.SemaphoreType.DMA,
    ],
)
def _gin_agg(h_hbm, src_hbm, dst_hbm, zero_hbm, out_hbm,
             src_v, dst_v, r0, r1, r2, r3,
             agg, g0, g1, g2, g3, s0, s1, s2, s3):
    cid = lax.axis_index("c")
    sid = lax.axis_index("s")
    rows = (r0, r1, r2, r3)
    gsem = (g0, g1, g2, g3)
    ssem = (s0, s1, s2, s3)
    hsrc = h_hbm.at[cid]

    pltpu.sync_copy(src_hbm.at[sid], src_v)
    pltpu.sync_copy(dst_hbm.at[sid], dst_v)
    pltpu.sync_copy(zero_hbm.at[pl.ds(sid * ROWS_Z, ROWS_Z)],
                    agg.at[pl.ds(sid * ROWS_Z, ROWS_Z)])
    plsc.subcore_barrier()

    def src_at(j):
        return src_v.at[pl.ds(j * C, C)]

    def wait_gather(j, b):
        pltpu.make_async_copy(hsrc.at[src_at(j)], rows[b], gsem[b]).wait()

    def issue_scatter(j, b):
        pltpu.async_copy(rows[b], agg.at[dst_v.at[j]], ssem[b], add=True)

    def wait_scatter(j, b):
        pltpu.make_async_copy(rows[b], agg.at[dst_v.at[j]], ssem[b]).wait()

    for j in range(3):
        pltpu.async_copy(hsrc.at[src_at(j)], rows[j], gsem[j])
    wait_gather(0, 0)
    issue_scatter(0, 0)
    pltpu.async_copy(hsrc.at[src_at(3)], rows[3], gsem[3])

    def step_body(j, b, nb, jnext):
        wait_gather(j, b)
        issue_scatter(j, b)
        wait_scatter(j - 1, nb)
        pltpu.async_copy(hsrc.at[src_at(jnext)], rows[nb], gsem[nb])

    def block(k, carry):
        j0 = 4 * k + 1
        for i in range(4):
            b = (1 + i) % NBUF
            step_body(j0 + i, b, (b + 3) % NBUF, j0 + i + 3)
        return carry

    lax.fori_loop(0, (S - 4) // 4, block, 0)

    step_body(S - 3, 1, 0, 0)
    step_body(S - 2, 2, 1, 1)
    step_body(S - 1, 3, 2, 2)

    wait_scatter(S - 1, 3)
    for j in range(3):
        wait_gather(j, j)

    plsc.subcore_barrier()
    pltpu.sync_copy(agg.at[pl.ds(sid * ROWS_Z, ROWS_Z)],
                    out_hbm.at[cid, pl.ds(sid * ROWS_Z, ROWS_Z)])



def kernel(x, edge_index, W0, b0, W1a, b1a, g1, be1, W1b, b1b,
           W2a, b2a, g2, be2, W2b, b2b):
    src = edge_index[0]
    dst = edge_index[1]
    pad = EPAD - E
    src_p = jnp.concatenate(
        [src, jnp.zeros((pad,), jnp.int32)]).reshape(NT, S * C)
    dst_p = jnp.concatenate(
        [dst, jnp.full((pad,), DUMMY, jnp.int32)]).reshape(NT, S, C)
    zeros = jnp.zeros((NPAD, G), jnp.float32)

    b0r = b0.reshape(1, H)
    b1ar = b1a.reshape(1, H)
    g1r = g1.reshape(1, H)
    be1r = be1.reshape(1, H)
    b1br = b1b.reshape(1, H)
    b2ar = b2a.reshape(1, H)
    g2r = g2.reshape(1, H)
    be2r = be2.reshape(1, H)
    b2br = b2b.reshape(1, H)

    h = _proj(x, W0, b0r)
    agg1 = _gin_agg(h, src_p, dst_p, zeros)
    h = _gin_mlp_relu(h, agg1, W1a, b1ar, g1r, be1r, W1b, b1br)
    agg2 = _gin_agg(h, src_p, dst_p, zeros)
    h = _gin_mlp_final(h, agg2, W2a, b2ar, g2r, be2r, W2b, b2br)
    return h

# --- scband reference (transcript-rebuilt; emitter-appended) ---
"""Pipeline reference for scband-gnnstruct-encoder-88510686036806 (READ-ONLY COPY).

The authoritative reference and input builder live on the scoring server;
editing this copy changes nothing except your own understanding.
"""

import jax, jax.numpy as jnp
import numpy as np

N = 10000
E = 320000
D = 128
H = 128
SCALE = 20.0


def setup_inputs(seed: int = 0) -> dict:
    key = jax.random.key(seed)
    ks = jax.random.split(key, 16)
    s = 0.05
    inp = {}
    inp['x'] = jax.random.normal(ks[0], (N, D), dtype=jnp.float32)
    inp['edge_index'] = jax.random.randint(ks[1], (2, E), 0, N, dtype=jnp.int32)
    # mlp0: Linear(in_dim0 -> hidden_dim)
    inp['W0'] = jax.random.normal(ks[2], (D, H), dtype=jnp.float32) * s
    inp['b0'] = jnp.zeros((H,), dtype=jnp.float32)
    # GINConv 1 MLP (layer_num=2): Linear -> BN -> ReLU -> Linear
    inp['W1a'] = jax.random.normal(ks[3], (H, H), dtype=jnp.float32) * s
    inp['b1a'] = jnp.zeros((H,), dtype=jnp.float32)
    inp['g1'] = jnp.ones((H,), dtype=jnp.float32)
    inp['be1'] = jnp.zeros((H,), dtype=jnp.float32)
    inp['W1b'] = jax.random.normal(ks[4], (H, H), dtype=jnp.float32) * s
    inp['b1b'] = jnp.zeros((H,), dtype=jnp.float32)
    # GINConv 2 MLP
    inp['W2a'] = jax.random.normal(ks[5], (H, H), dtype=jnp.float32) * s
    inp['b2a'] = jnp.zeros((H,), dtype=jnp.float32)
    inp['g2'] = jnp.ones((H,), dtype=jnp.float32)
    inp['be2'] = jnp.zeros((H,), dtype=jnp.float32)
    inp['W2b'] = jax.random.normal(ks[6], (H, H), dtype=jnp.float32) * s
    inp['b2b'] = jnp.zeros((H,), dtype=jnp.float32)
    return inp


def _gin_conv(h, src, dst, Wa, ba, g, be, Wb, bb):
    # GINConv with eps=0: mlp((1+eps)*h_i + sum_{j in N(i)} h_j)
    agg = jnp.zeros_like(h).at[dst].add(h[src])
    z = h + agg
    z = z @ Wa + ba
    mu = z.mean(axis=0)
    var = z.var(axis=0)
    z = (z - mu) / jnp.sqrt(var + 1e-5) * g + be
    z = jax.nn.relu(z)
    z = z @ Wb + bb
    return z


def _pairnorm_scs(x):
    # PairNorm mode 'PN-SCS', scale=20
    col_mean = x.mean(axis=0)
    rownorm = jnp.sqrt(1e-06 + jnp.sum(x * x, axis=1, keepdims=True))
    return SCALE * x / rownorm - col_mean


def reference(x, edge_index, W0, b0, W1a, b1a, g1, be1, W1b, b1b, W2a, b2a, g2, be2, W2b, b2b):
    src = edge_index[0]
    dst = edge_index[1]
    h = x @ W0 + b0
    h = _gin_conv(h, src, dst, W1a, b1a, g1, be1, W1b, b1b)
    h = _pairnorm_scs(h)
    h = jax.nn.relu(h)
    h = _gin_conv(h, src, dst, W2a, b2a, g2, be2, W2b, b2b)
    h = _pairnorm_scs(h)
    return h

if __name__ == "__main__":
    import jax
    _d = setup_inputs()
    print(jax.jit(kernel)(*tuple(_d.values())))

</pallas_src>

<mosaic_0001>
#map = affine_map<(d0, d1) -> (0, 0, 0)>
#map1 = affine_map<(d0, d1) -> (0, 0)>
module attributes {stable_mosaic.version = 14 : i64} {
  func.func @_gin_agg(%arg0: i32, %arg1: i32, %arg2: memref<2x10000x64xf32, #tpu.memory_space<hbm>>, %arg3: memref<16x20480xi32, #tpu.memory_space<hbm>>, %arg4: memref<16x160x128xi32, #tpu.memory_space<hbm>>, %arg5: memref<10112x64xf32, #tpu.memory_space<hbm>>, %arg6: memref<2x10112x64xf32, #tpu.memory_space<hbm>>, %arg7: memref<20480xi32, #tpu.memory_space<vmem>>, %arg8: memref<160x128xi32, #tpu.memory_space<vmem>>, %arg9: memref<128x64xf32, #tpu.memory_space<vmem>>, %arg10: memref<128x64xf32, #tpu.memory_space<vmem>>, %arg11: memref<128x64xf32, #tpu.memory_space<vmem>>, %arg12: memref<128x64xf32, #tpu.memory_space<vmem>>, %arg13: memref<10112x64xf32, #tpu.memory_space<vmem_shared>>, %arg14: memref<!tpu.dma_semaphore, #tpu.memory_space<semaphore_mem>>, %arg15: memref<!tpu.dma_semaphore, #tpu.memory_space<semaphore_mem>>, %arg16: memref<!tpu.dma_semaphore, #tpu.memory_space<semaphore_mem>>, %arg17: memref<!tpu.dma_semaphore, #tpu.memory_space<semaphore_mem>>, %arg18: memref<!tpu.dma_semaphore, #tpu.memory_space<semaphore_mem>>, %arg19: memref<!tpu.dma_semaphore, #tpu.memory_space<semaphore_mem>>, %arg20: memref<!tpu.dma_semaphore, #tpu.memory_space<semaphore_mem>>, %arg21: memref<!tpu.dma_semaphore, #tpu.memory_space<semaphore_mem>>) attributes {dimension_semantics = [#tpu.dimension_semantics<core_parallel>, #tpu.dimension_semantics<subcore_parallel>], iteration_bounds = array<i64: 2, 16>, scalar_prefetch = 0 : i64, scratch_operands = 15 : i64, tpu.core_type = #tpu.core_type<sc_vector_subcore>, window_params = [{transform_indices = #map}, {transform_indices = #map1}, {transform_indices = #map}, {transform_indices = #map1}, {transform_indices = #map}]} {
    "tpu.region"() ({
      %run_scoped3A = tpu.sem_alloc : memref<!tpu.dma_semaphore, #tpu.memory_space<semaphore_mem>>
      %dma_start3A_193 = arith.constant 0 : i32
      %dma_start3A_194 = tpu.memref_slice %arg3[%arg1, %dma_start3A_193] : memref<16x20480xi32, #tpu.memory_space<hbm>> -> memref<1x20480xi32, #tpu.memory_space<hbm>>
      %dma_start3A_195 = tpu.memref_squeeze %dma_start3A_194 : memref<1x20480xi32, #tpu.memory_space<hbm>> -> memref<20480xi32, #tpu.memory_space<hbm>>
      %dma_start3A_196 = arith.constant 0 : i32
      %dma_start3A_197 = tpu.memref_slice %arg3[%arg1, %dma_start3A_196] : memref<16x20480xi32, #tpu.memory_space<hbm>> -> memref<1x20480xi32, #tpu.memory_space<hbm>>
      %dma_start3A_198 = tpu.memref_squeeze %dma_start3A_197 : memref<1x20480xi32, #tpu.memory_space<hbm>> -> memref<20480xi32, #tpu.memory_space<hbm>>
      tpu.enqueue_dma source(%dma_start3A_198 : memref<20480xi32, #tpu.memory_space<hbm>>) target(%arg7 : memref<20480xi32, #tpu.memory_space<vmem>>) target_semaphore(%run_scoped3A : memref<!tpu.dma_semaphore, #tpu.memory_space<semaphore_mem>>)
      %dma_wait3A_199 = arith.constant 0 : i32
      %dma_wait3A_200 = tpu.memref_slice %arg3[%arg1, %dma_wait3A_199] : memref<16x20480xi32, #tpu.memory_space<hbm>> -> memref<1x20480xi32, #tpu.memory_space<hbm>>
      %dma_wait3A_201 = tpu.memref_squeeze %dma_wait3A_200 : memref<1x20480xi32, #tpu.memory_space<hbm>> -> memref<20480xi32, #tpu.memory_space<hbm>>
      %dma_wait3A_202 = arith.constant 0 : i32
      %dma_wait3A_203 = tpu.memref_slice %arg3[%arg1, %dma_wait3A_202] : memref<16x20480xi32, #tpu.memory_space<hbm>> -> memref<1x20480xi32, #tpu.memory_space<hbm>>
      %dma_wait3A_204 = tpu.memref_squeeze %dma_wait3A_203 : memref<1x20480xi32, #tpu.memory_space<hbm>> -> memref<20480xi32, #tpu.memory_space<hbm>>
      tpu.wait_dma2 semaphore(%run_scoped3A : memref<!tpu.dma_semaphore, #tpu.memory_space<semaphore_mem>>) src(%dma_wait3A_204 : memref<20480xi32, #tpu.memory_space<hbm>>) dst(%arg7 : memref<20480xi32, #tpu.memory_space<vmem>>)
      tpu.yield
    }) : () -> ()
    "tpu.region"() ({
      %run_scoped3A = tpu.sem_alloc : memref<!tpu.dma_semaphore, #tpu.memory_space<semaphore_mem>>
      %dma_start3A_193 = arith.constant 0 : i32
      %dma_start3A_194 = arith.constant 0 : i32
      %dma_start3A_195 = tpu.memref_slice %arg4[%arg1, %dma_start3A_193, %dma_start3A_194] : memref<16x160x128xi32, #tpu.memory_space<hbm>> -> memref<1x160x128xi32, #tpu.memory_space<hbm>>
      %dma_start3A_196 = tpu.memref_squeeze %dma_start3A_195 : memref<1x160x128xi32, #tpu.memory_space<hbm>> -> memref<160x128xi32, #tpu.memory_space<hbm>>
      %dma_start3A_197 = arith.constant 0 : i32
      %dma_start3A_198 = arith.constant 0 : i32
      %dma_start3A_199 = tpu.memref_slice %arg4[%arg1, %dma_start3A_197, %dma_start3A_198] : memref<16x160x128xi32, #tpu.memory_space<hbm>> -> memref<1x160x128xi32, #tpu.memory_space<hbm>>
      %dma_start3A_200 = tpu.memref_squeeze %dma_start3A_199 : memref<1x160x128xi32, #tpu.memory_space<hbm>> -> memref<160x128xi32, #tpu.memory_space<hbm>>
      tpu.enqueue_dma source(%dma_start3A_200 : memref<160x128xi32, #tpu.memory_space<hbm>>) target(%arg8 : memref<160x128xi32, #tpu.memory_space<vmem>>) target_semaphore(%run_scoped3A : memref<!tpu.dma_semaphore, #tpu.memory_space<semaphore_mem>>)
      %dma_wait3A_201 = arith.constant 0 : i32
      %dma_wait3A_202 = arith.constant 0 : i32
      %dma_wait3A_203 = tpu.memref_slice %arg4[%arg1, %dma_wait3A_201, %dma_wait3A_202] : memref<16x160x128xi32, #tpu.memory_space<hbm>> -> memref<1x160x128xi32, #tpu.memory_space<hbm>>
      %dma_wait3A_204 = tpu.memref_squeeze %dma_wait3A_203 : memref<1x160x128xi32, #tpu.memory_space<hbm>> -> memref<160x128xi32, #tpu.memory_space<hbm>>
      %dma_wait3A_205 = arith.constant 0 : i32
      %dma_wait3A_206 = arith.constant 0 : i32
      %dma_wait3A_207 = tpu.memref_slice %arg4[%arg1, %dma_wait3A_205, %dma_wait3A_206] : memref<16x160x128xi32, #tpu.memory_space<hbm>> -> memref<1x160x128xi32, #tpu.memory_space<hbm>>
      %dma_wait3A_208 = tpu.memref_squeeze %dma_wait3A_207 : memref<1x160x128xi32, #tpu.memory_space<hbm>> -> memref<160x128xi32, #tpu.memory_space<hbm>>
      tpu.wait_dma2 semaphore(%run_scoped3A : memref<!tpu.dma_semaphore, #tpu.memory_space<semaphore_mem>>) src(%dma_wait3A_208 : memref<160x128xi32, #tpu.memory_space<hbm>>) dst(%arg8 : memref<160x128xi32, #tpu.memory_space<vmem>>)
      tpu.yield
    }) : () -> ()
    %mul3A = arith.constant 632 : i32
    %mul3A_0 = arith.muli %arg1, %mul3A : i32
    %mul3A_1 = arith.constant 632 : i32
    %mul3A_2 = arith.muli %arg1, %mul3A_1 : i32
    "tpu.region"() ({
      %run_scoped3A = tpu.sem_alloc : memref<!tpu.dma_semaphore, #tpu.memory_space<semaphore_mem>>
      %dma_start3A_193 = arith.constant 0 : i32
      %dma_start3A_194 = tpu.memref_slice %arg13[%mul3A_2, %dma_start3A_193] : memref<10112x64xf32, #tpu.memory_space<vmem_shared>> -> memref<632x64xf32, #tpu.memory_space<vmem_shared>>
      %dma_start3A_195 = arith.constant 0 : i32
      %dma_start3A_196 = tpu.memref_slice %arg5[%mul3A_0, %dma_start3A_195] : memref<10112x64xf32, #tpu.memory_space<hbm>> -> memref<632x64xf32, #tpu.memory_space<hbm>>
      tpu.enqueue_dma source(%dma_start3A_196 : memref<632x64xf32, #tpu.memory_space<hbm>>) target(%dma_start3A_194 : memref<632x64xf32, #tpu.memory_space<vmem_shared>>) target_semaphore(%run_scoped3A : memref<!tpu.dma_semaphore, #tpu.memory_space<semaphore_mem>>)
      %dma_wait3A_197 = arith.constant 0 : i32
      %dma_wait3A_198 = tpu.memref_slice %arg13[%mul3A_2, %dma_wait3A_197] : memref<10112x64xf32, #tpu.memory_space<vmem_shared>> -> memref<632x64xf32, #tpu.memory_space<vmem_shared>>
      %dma_wait3A_199 = arith.constant 0 : i32
      %dma_wait3A_200 = tpu.memref_slice %arg5[%mul3A_0, %dma_wait3A_199] : memref<10112x64xf32, #tpu.memory_space<hbm>> -> memref<632x64xf32, #tpu.memory_space<hbm>>
      tpu.wait_dma2 semaphore(%run_scoped3A : memref<!tpu.dma_semaphore, #tpu.memory_space<semaphore_mem>>) src(%dma_wait3A_200 : memref<632x64xf32, #tpu.memory_space<hbm>>) dst(%dma_wait3A_198 : memref<632x64xf32, #tpu.memory_space<vmem_shared>>)
      tpu.yield
    }) : () -> ()
    %barrier3A = arith.constant 0 : index
    tpu.barrier barrier_id(%barrier3A)
    %dma_start3A = arith.constant 0 : i32
    %dma_start3A_3 = tpu.memref_slice %arg7[%dma_start3A] : memref<20480xi32, #tpu.memory_space<vmem>> -> memref<128xi32, #tpu.memory_space<vmem>>
    %dma_start3A_4 = arith.constant 0 : i32
    %dma_start3A_5 = arith.constant 0 : i32
    %dma_start3A_6 = tpu.memref_slice %arg2[%arg0, %dma_start3A_4, %dma_start3A_5] : memref<2x10000x64xf32, #tpu.memory_space<hbm>> -> memref<1x10000x64xf32, #tpu.memory_space<hbm>>
    %dma_start3A_7 = tpu.memref_squeeze %dma_start3A_6 : memref<1x10000x64xf32, #tpu.memory_space<hbm>> -> memref<10000x64xf32, #tpu.memory_space<hbm>>
    %dma_start3A_8 = arith.constant 0 : i32
    %dma_start3A_9 = arith.constant 0 : i32
    %dma_start3A_10 = tpu.memref_slice %dma_start3A_7[%dma_start3A_8, %dma_start3A_9] : memref<10000x64xf32, #tpu.memory_space<hbm>> -> memref<10000x64xf32, #tpu.memory_space<hbm>>
    tpu.enqueue_indirect_dma source(%dma_start3A_10 : memref<10000x64xf32, #tpu.memory_space<hbm>>) target(%arg9 : memref<128x64xf32, #tpu.memory_space<vmem>>) offsets(%dma_start3A_3 : memref<128xi32, #tpu.memory_space<vmem>>) semaphore(%arg14 : memref<!tpu.dma_semaphore, #tpu.memory_space<semaphore_mem>>)
    %dma_start3A_11 = arith.constant 128 : i32
    %dma_start3A_12 = tpu.memref_slice %arg7[%dma_start3A_11] : memref<20480xi32, #tpu.memory_space<vmem>> -> memref<128xi32, #tpu.memory_space<vmem>>
    %dma_start3A_13 = arith.constant 0 : i32
    %dma_start3A_14 = arith.constant 0 : i32
    %dma_start3A_15 = tpu.memref_slice %arg2[%arg0, %dma_start3A_13, %dma_start3A_14] : memref<2x10000x64xf32, #tpu.memory_space<hbm>> -> memref<1x10000x64xf32, #tpu.memory_space<hbm>>
    %dma_start3A_16 = tpu.memref_squeeze %dma_start3A_15 : memref<1x10000x64xf32, #tpu.memory_space<hbm>> -> memref<10000x64xf32, #tpu.memory_space<hbm>>
    %dma_start3A_17 = arith.constant 0 : i32
    %dma_start3A_18 = arith.constant 0 : i32
    %dma_start3A_19 = tpu.memref_slice %dma_start3A_16[%dma_start3A_17, %dma_start3A_18] : memref<10000x64xf32, #tpu.memory_space<hbm>> -> memref<10000x64xf32, #tpu.memory_space<hbm>>
    tpu.enqueue_indirect_dma source(%dma_start3A_19 : memref<10000x64xf32, #tpu.memory_space<hbm>>) target(%arg10 : memref<128x64xf32, #tpu.memory_space<vmem>>) offsets(%dma_start3A_12 : memref<128xi32, #tpu.memory_space<vmem>>) semaphore(%arg15 : memref<!tpu.dma_semaphore, #tpu.memory_space<semaphore_mem>>)
    %dma_start3A_20 = arith.constant 256 : i32
    %dma_start3A_21 = tpu.memref_slice %arg7[%dma_start3A_20] : memref<20480xi32, #tpu.memory_space<vmem>> -> memref<128xi32, #tpu.memory_space<vmem>>
    %dma_start3A_22 = arith.constant 0 : i32
    %dma_start3A_23 = arith.constant 0 : i32
    %dma_start3A_24 = tpu.memref_slice %arg2[%arg0, %dma_start3A_22, %dma_start3A_23] : memref<2x10000x64xf32, #tpu.memory_space<hbm>> -> memref<1x10000x64xf32, #tpu.memory_space<hbm>>
    %dma_start3A_25 = tpu.memref_squeeze %dma_start3A_24 : memref<1x10000x64xf32, #tpu.memory_space<hbm>> -> memref<10000x64xf32, #tpu.memory_space<hbm>>
    %dma_start3A_26 = arith.constant 0 : i32
    %dma_start3A_27 = arith.constant 0 : i32
    %dma_start3A_28 = tpu.memref_slice %dma_start3A_25[%dma_start3A_26, %dma_start3A_27] : memref<10000x64xf32, #tpu.memory_space<hbm>> -> memref<10000x64xf32, #tpu.memory_space<hbm>>
    tpu.enqueue_indirect_dma source(%dma_start3A_28 : memref<10000x64xf32, #tpu.memory_space<hbm>>) target(%arg11 : memref<128x64xf32, #tpu.memory_space<vmem>>) offsets(%dma_start3A_21 : memref<128xi32, #tpu.memory_space<vmem>>) semaphore(%arg16 : memref<!tpu.dma_semaphore, #tpu.memory_space<semaphore_mem>>)
    %dma_wait3A = arith.constant 0 : i32
    %dma_wait3A_29 = tpu.memref_slice %arg7[%dma_wait3A] : memref<20480xi32, #tpu.memory_space<vmem>> -> memref<128xi32, #tpu.memory_space<vmem>>
    %dma_wait3A_30 = arith.constant 0 : i32
    %dma_wait3A_31 = arith.constant 0 : i32
    %dma_wait3A_32 = tpu.memref_slice %arg2[%arg0, %dma_wait3A_30, %dma_wait3A_31] : memref<2x10000x64xf32, #tpu.memory_space<hbm>> -> memref<1x10000x64xf32, #tpu.memory_space<hbm>>
    %dma_wait3A_33 = tpu.memref_squeeze %dma_wait3A_32 : memref<1x10000x64xf32, #tpu.memory_space<hbm>> -> memref<10000x64xf32, #tpu.memory_space<hbm>>
    %dma_wait3A_34 = arith.constant 0 : i32
    %dma_wait3A_35 = arith.constant 0 : i32
    %dma_wait3A_36 = tpu.memref_slice %dma_wait3A_33[%dma_wait3A_34, %dma_wait3A_35] : memref<10000x64xf32, #tpu.memory_space<hbm>> -> memref<10000x64xf32, #tpu.memory_space<hbm>>
    tpu.wait_indirect_dma semaphore(%arg14 : memref<!tpu.dma_semaphore, #tpu.memory_space<semaphore_mem>>) src(%dma_wait3A_36 : memref<10000x64xf32, #tpu.memory_space<hbm>>) dst(%arg9 : memref<128x64xf32, #tpu.memory_space<vmem>>)
    %dma_start3A_37 = arith.constant 0 : i32
    %dma_start3A_38 = arith.constant 0 : i32
    %dma_start3A_39 = tpu.memref_slice %arg8[%dma_start3A_37, %dma_start3A_38] : memref<160x128xi32, #tpu.memory_space<vmem>> -> memref<1x128xi32, #tpu.memory_space<vmem>>
    %dma_start3A_40 = tpu.memref_squeeze %dma_start3A_39 : memref<1x128xi32, #tpu.memory_space<vmem>> -> memref<128xi32, #tpu.memory_space<vmem>>
    %dma_start3A_41 = arith.constant 0 : i32
    %dma_start3A_42 = arith.constant 0 : i32
    %dma_start3A_43 = tpu.memref_slice %arg13[%dma_start3A_41, %dma_start3A_42] : memref<10112x64xf32, #tpu.memory_space<vmem_shared>> -> memref<10112x64xf32, #tpu.memory_space<vmem_shared>>
    tpu.enqueue_indirect_dma source(%arg9 : memref<128x64xf32, #tpu.memory_space<vmem>>) target(%dma_start3A_43 : memref<10112x64xf32, #tpu.memory_space<vmem_shared>>) offsets(%dma_start3A_40 : memref<128xi32, #tpu.memory_space<vmem>>) semaphore(%arg18 : memref<!tpu.dma_semaphore, #tpu.memory_space<semaphore_mem>>) {add = true}
    %dma_start3A_44 = arith.constant 384 : i32
    %dma_start3A_45 = tpu.memref_slice %arg7[%dma_start3A_44] : memref<20480xi32, #tpu.memory_space<vmem>> -> memref<128xi32, #tpu.memory_space<vmem>>
    %dma_start3A_46 = arith.constant 0 : i32
    %dma_start3A_47 = arith.constant 0 : i32
    %dma_start3A_48 = tpu.memref_slice %arg2[%arg0, %dma_start3A_46, %dma_start3A_47] : memref<2x10000x64xf32, #tpu.memory_space<hbm>> -> memref<1x10000x64xf32, #tpu.memory_space<hbm>>
    %dma_start3A_49 = tpu.memref_squeeze %dma_start3A_48 : memref<1x10000x64xf32, #tpu.memory_space<hbm>> -> memref<10000x64xf32, #tpu.memory_space<hbm>>
    %dma_start3A_50 = arith.constant 0 : i32
    %dma_start3A_51 = arith.constant 0 : i32
    %dma_start3A_52 = tpu.memref_slice %dma_start3A_49[%dma_start3A_50, %dma_start3A_51] : memref<10000x64xf32, #tpu.memory_space<hbm>> -> memref<10000x64xf32, #tpu.memory_space<hbm>>
    tpu.enqueue_indirect_dma source(%dma_start3A_52 : memref<10000x64xf32, #tpu.memory_space<hbm>>) target(%arg12 : memref<128x64xf32, #tpu.memory_space<vmem>>) offsets(%dma_start3A_45 : memref<128xi32, #tpu.memory_space<vmem>>) semaphore(%arg17 : memref<!tpu.dma_semaphore, #tpu.memory_space<semaphore_mem>>)
    %scan3A = arith.constant 0 : i32
    %scan3A_53 = arith.constant 0 : i32
    %scan3A_54 = arith.constant 39 : i32
    %scan3A_55 = arith.addi %scan3A_53, %scan3A_54 : i32
    %scan3A_56 = arith.constant 1 : i32
    scf.for %scan3A_193 = %scan3A_53 to %scan3A_55 step %scan3A_56  : i32 {
      %mul3A_194 = arith.constant 4 : i32
      %mul3A_195 = arith.muli %mul3A_194, %scan3A_193 : i32
      %add3A = arith.constant 1 : i32
      %add3A_196 = arith.addi %mul3A_195, %add3A : i32
      %add3A_197 = arith.constant 0 : i32
      %add3A_198 = arith.addi %add3A_196, %add3A_197 : i32
      %add3A_199 = arith.constant 0 : i32
      %add3A_200 = arith.addi %add3A_196, %add3A_199 : i32
      %add3A_201 = arith.constant 3 : i32
      %add3A_202 = arith.addi %add3A_200, %add3A_201 : i32
      %mul3A_203 = arith.constant 128 : i32
      %mul3A_204 = arith.muli %add3A_198, %mul3A_203 : i32
      %dma_wait3A_205 = tpu.memref_slice %arg7[%mul3A_204] : memref<20480xi32, #tpu.memory_space<vmem>> -> memref<128xi32, #tpu.memory_space<vmem>>
      %dma_wait3A_206 = arith.constant 0 : i32
      %dma_wait3A_207 = arith.constant 0 : i32
      %dma_wait3A_208 = tpu.memref_slice %arg2[%arg0, %dma_wait3A_206, %dma_wait3A_207] : memref<2x10000x64xf32, #tpu.memory_space<hbm>> -> memref<1x10000x64xf32, #tpu.memory_space<hbm>>
      %dma_wait3A_209 = tpu.memref_squeeze %dma_wait3A_208 : memref<1x10000x64xf32, #tpu.memory_space<hbm>> -> memref<10000x64xf32, #tpu.memory_space<hbm>>
      %dma_wait3A_210 = arith.constant 0 : i32
      %dma_wait3A_211 = arith.constant 0 : i32
      %dma_wait3A_212 = tpu.memref_slice %dma_wait3A_209[%dma_wait3A_210, %dma_wait3A_211] : memref<10000x64xf32, #tpu.memory_space<hbm>> -> memref<10000x64xf32, #tpu.memory_space<hbm>>
      tpu.wait_indirect_dma semaphore(%arg15 : memref<!tpu.dma_semaphore, #tpu.memory_space<semaphore_mem>>) src(%dma_wait3A_212 : memref<10000x64xf32, #tpu.memory_space<hbm>>) dst(%arg10 : memref<128x64xf32, #tpu.memory_space<vmem>>)
      %dma_start3A_213 = arith.constant 0 : i32
      %dma_start3A_214 = tpu.memref_slice %arg8[%add3A_198, %dma_start3A_213] : memref<160x128xi32, #tpu.memory_space<vmem>> -> memref<1x128xi32, #tpu.memory_space<vmem>>
      %dma_start3A_215 = tpu.memref_squeeze %dma_start3A_214 : memref<1x128xi32, #tpu.memory_space<vmem>> -> memref<128xi32, #tpu.memory_space<vmem>>
      %dma_start3A_216 = arith.constant 0 : i32
      %dma_start3A_217 = arith.constant 0 : i32
      %dma_start3A_218 = tpu.memref_slice %arg13[%dma_start3A_216, %dma_start3A_217] : memref<10112x64xf32, #tpu.memory_space<vmem_shared>> -> memref<10112x64xf32, #tpu.memory_space<vmem_shared>>
      tpu.enqueue_indirect_dma source(%arg10 : memref<128x64xf32, #tpu.memory_space<vmem>>) target(%dma_start3A_218 : memref<10112x64xf32, #tpu.memory_space<vmem_shared>>) offsets(%dma_start3A_215 : memref<128xi32, #tpu.memory_space<vmem>>) semaphore(%arg19 : memref<!tpu.dma_semaphore, #tpu.memory_space<semaphore_mem>>) {add = true}
      %sub3A = arith.constant 1 : i32
      %sub3A_219 = arith.subi %add3A_198, %sub3A : i32
      %dma_wait3A_220 = arith.constant 0 : i32
      %dma_wait3A_221 = tpu.memref_slice %arg8[%sub3A_219, %dma_wait3A_220] : memref<160x128xi32, #tpu.memory_space<vmem>> -> memref<1x128xi32, #tpu.memory_space<vmem>>
      %dma_wait3A_222 = tpu.memref_squeeze %dma_wait3A_221 : memref<1x128xi32, #tpu.memory_space<vmem>> -> memref<128xi32, #tpu.memory_space<vmem>>
      %dma_wait3A_223 = arith.constant 0 : i32
      %dma_wait3A_224 = arith.constant 0 : i32
      %dma_wait3A_225 = tpu.memref_slice %arg13[%dma_wait3A_223, %dma_wait3A_224] : memref<10112x64xf32, #tpu.memory_space<vmem_shared>> -> memref<10112x64xf32, #tpu.memory_space<vmem_shared>>
      tpu.wait_indirect_dma semaphore(%arg18 : memref<!tpu.dma_semaphore, #tpu.memory_space<semaphore_mem>>) src(%arg9 : memref<128x64xf32, #tpu.memory_space<vmem>>) dst(%dma_wait3A_225 : memref<10112x64xf32, #tpu.memory_space<vmem_shared>>)
      %mul3A_226 = arith.constant 128 : i32
      %mul3A_227 = arith.muli %add3A_202, %mul3A_226 : i32
      %dma_start3A_228 = tpu.memref_slice %arg7[%mul3A_227] : memref<20480xi32, #tpu.memory_space<vmem>> -> memref<128xi32, #tpu.memory_space<vmem>>
      %dma_start3A_229 = arith.constant 0 : i32
      %dma_start3A_230 = arith.constant 0 : i32
      %dma_start3A_231 = tpu.memref_slice %arg2[%arg0, %dma_start3A_229, %dma_start3A_230] : memref<2x10000x64xf32, #tpu.memory_space<hbm>> -> memref<1x10000x64xf32, #tpu.memory_space<hbm>>
      %dma_start3A_232 = tpu.memref_squeeze %dma_start3A_231 : memref<1x10000x64xf32, #tpu.memory_space<hbm>> -> memref<10000x64xf32, #tpu.memory_space<hbm>>
      %dma_start3A_233 = arith.constant 0 : i32
      %dma_start3A_234 = arith.constant 0 : i32
      %dma_start3A_235 = tpu.memref_slice %dma_start3A_232[%dma_start3A_233, %dma_start3A_234] : memref<10000x64xf32, #tpu.memory_space<hbm>> -> memref<10000x64xf32, #tpu.memory_space<hbm>>
      tpu.enqueue_indirect_dma source(%dma_start3A_235 : memref<10000x64xf32, #tpu.memory_space<hbm>>) target(%arg9 : memref<128x64xf32, #tpu.memory_space<vmem>>) offsets(%dma_start3A_228 : memref<128xi32, #tpu.memory_space<vmem>>) semaphore(%arg14 : memref<!tpu.dma_semaphore, #tpu.memory_space<semaphore_mem>>)
      %add3A_236 = arith.constant 1 : i32
      %add3A_237 = arith.addi %add3A_196, %add3A_236 : i32
      %add3A_238 = arith.constant 1 : i32
      %add3A_239 = arith.addi %add3A_196, %add3A_238 : i32
      %add3A_240 = arith.constant 3 : i32
      %add3A_241 = arith.addi %add3A_239, %add3A_240 : i32
      %mul3A_242 = arith.constant 128 : i32
      %mul3A_243 = arith.muli %add3A_237, %mul3A_242 : i32
      %dma_wait3A_244 = tpu.memref_slice %arg7[%mul3A_243] : memref<20480xi32, #tpu.memory_space<vmem>> -> memref<128xi32, #tpu.memory_space<vmem>>
      %dma_wait3A_245 = arith.constant 0 : i32
      %dma_wait3A_246 = arith.constant 0 : i32
      %dma_wait3A_247 = tpu.memref_slice %arg2[%arg0, %dma_wait3A_245, %dma_wait3A_246] : memref<2x10000x64xf32, #tpu.memory_space<hbm>> -> memref<1x10000x64xf32, #tpu.memory_space<hbm>>
      %dma_wait3A_248 = tpu.memref_squeeze %dma_wait3A_247 : memref<1x10000x64xf32, #tpu.memory_space<hbm>> -> memref<10000x64xf32, #tpu.memory_space<hbm>>
      %dma_wait3A_249 = arith.constant 0 : i32
      %dma_wait3A_250 = arith.constant 0 : i32
      %dma_wait3A_251 = tpu.memref_slice %dma_wait3A_248[%dma_wait3A_249, %dma_wait3A_250] : memref<10000x64xf32, #tpu.memory_space<hbm>> -> memref<10000x64xf32, #tpu.memory_space<hbm>>
      tpu.wait_indirect_dma semaphore(%arg16 : memref<!tpu.dma_semaphore, #tpu.memory_space<semaphore_mem>>) src(%dma_wait3A_251 : memref<10000x64xf32, #tpu.memory_space<hbm>>) dst(%arg11 : memref<128x64xf32, #tpu.memory_space<vmem>>)
      %dma_start3A_252 = arith.constant 0 : i32
      %dma_start3A_253 = tpu.memref_slice %arg8[%add3A_237, %dma_start3A_252] : memref<160x128xi32, #tpu.memory_space<vmem>> -> memref<1x128xi32, #tpu.memory_space<vmem>>
      %dma_start3A_254 = tpu.memref_squeeze %dma_start3A_253 : memref<1x128xi32, #tpu.memory_space<vmem>> -> memref<128xi32, #tpu.memory_space<vmem>>
      %dma_start3A_255 = arith.constant 0 : i32
      %dma_start3A_256 = arith.constant 0 : i32
      %dma_start3A_257 = tpu.memref_slice %arg13[%dma_start3A_255, %dma_start3A_256] : memref<10112x64xf32, #tpu.memory_space<vmem_shared>> -> memref<10112x64xf32, #tpu.memory_space<vmem_shared>>
      tpu.enqueue_indirect_dma source(%arg11 : memref<128x64xf32, #tpu.memory_space<vmem>>) target(%dma_start3A_257 : memref<10112x64xf32, #tpu.memory_space<vmem_shared>>) offsets(%dma_start3A_254 : memref<128xi32, #tpu.memory_space<vmem>>) semaphore(%arg20 : memref<!tpu.dma_semaphore, #tpu.memory_space<semaphore_mem>>) {add = true}
      %sub3A_258 = arith.constant 1 : i32
      %sub3A_259 = arith.subi %add3A_237, %sub3A_258 : i32
      %dma_wait3A_260 = arith.constant 0 : i32
      %dma_wait3A_261 = tpu.memref_slice %arg8[%sub3A_259, %dma_wait3A_260] : memref<160x128xi32, #tpu.memory_space<vmem>> -> memref<1x128xi32, #tpu.memory_space<vmem>>
      %dma_wait3A_262 = tpu.memref_squeeze %dma_wait3A_261 : memref<1x128xi32, #tpu.memory_space<vmem>> -> memref<128xi32, #tpu.memory_space<vmem>>
      %dma_wait3A_263 = arith.constant 0 : i32
      %dma_wait3A_264 = arith.constant 0 : i32
      %dma_wait3A_265 = tpu.memref_slice %arg13[%dma_wait3A_263, %dma_wait3A_264] : memref<10112x64xf32, #tpu.memory_space<vmem_shared>> -> memref<10112x64xf32, #tpu.memory_space<vmem_shared>>
      tpu.wait_indirect_dma semaphore(%arg19 : memref<!tpu.dma_semaphore, #tpu.memory_space<semaphore_mem>>) src(%arg10 : memref<128x64xf32, #tpu.memory_space<vmem>>) dst(%dma_wait3A_265 : memref<10112x64xf32, #tpu.memory_space<vmem_shared>>)
      %mul3A_266 = arith.constant 128 : i32
      %mul3A_267 = arith.muli %add3A_241, %mul3A_266 : i32
      %dma_start3A_268 = tpu.memref_slice %arg7[%mul3A_267] : memref<20480xi32, #tpu.memory_space<vmem>> -> memref<128xi32, #tpu.memory_space<vmem>>
      %dma_start3A_269 = arith.constant 0 : i32
      %dma_start3A_270 = arith.constant 0 : i32
      %dma_start3A_271 = tpu.memref_slice %arg2[%arg0, %dma_start3A_269, %dma_start3A_270] : memref<2x10000x64xf32, #tpu.memory_space<hbm>> -> memref<1x10000x64xf32, #tpu.memory_space<hbm>>
      %dma_start3A_272 = tpu.memref_squeeze %dma_start3A_271 : memref<1x10000x64xf32, #tpu.memory_space<hbm>> -> memref<10000x64xf32, #tpu.memory_space<hbm>>
      %dma_start3A_273 = arith.constant 0 : i32
      %dma_start3A_274 = arith.constant 0 : i32
      %dma_start3A_275 = tpu.memref_slice %dma_start3A_272[%dma_start3A_273, %dma_start3A_274] : memref<10000x64xf32, #tpu.memory_space<hbm>> -> memref<10000x64xf32, #tpu.memory_space<hbm>>
      tpu.enqueue_indirect_dma source(%dma_start3A_275 : memref<10000x64xf32, #tpu.memory_space<hbm>>) target(%arg10 : memref<128x64xf32, #tpu.memory_space<vmem>>) offsets(%dma_start3A_268 : memref<128xi32, #tpu.memory_space<vmem>>) semaphore(%arg15 : memref<!tpu.dma_semaphore, #tpu.memory_space<semaphore_mem>>)
      %add3A_276 = arith.constant 2 : i32
      %add3A_277 = arith.addi %add3A_196, %add3A_276 : i32
      %add3A_278 = arith.constant 2 : i32
      %add3A_279 = arith.addi %add3A_196, %add3A_278 : i32
      %add3A_280 = arith.constant 3 : i32
      %add3A_281 = arith.addi %add3A_279, %add3A_280 : i32
      %mul3A_282 = arith.constant 128 : i32
      %mul3A_283 = arith.muli %add3A_277, %mul3A_282 : i32
      %dma_wait3A_284 = tpu.memref_slice %arg7[%mul3A_283] : memref<20480xi32, #tpu.memory_space<vmem>> -> memref<128xi32, #tpu.memory_space<vmem>>
      %dma_wait3A_285 = arith.constant 0 : i32
      %dma_wait3A_286 = arith.constant 0 : i32
      %dma_wait3A_287 = tpu.memref_slice %arg2[%arg0, %dma_wait3A_285, %dma_wait3A_286] : memref<2x10000x64xf32, #tpu.memory_space<hbm>> -> memref<1x10000x64xf32, #tpu.memory_space<hbm>>
      %dma_wait3A_288 = tpu.memref_squeeze %dma_wait3A_287 : memref<1x10000x64xf32, #tpu.memory_space<hbm>> -> memref<10000x64xf32, #tpu.memory_space<hbm>>
      %dma_wait3A_289 = arith.constant 0 : i32
      %dma_wait3A_290 = arith.constant 0 : i32
      %dma_wait3A_291 = tpu.memref_slice %dma_wait3A_288[%dma_wait3A_289, %dma_wait3A_290] : memref<10000x64xf32, #tpu.memory_space<hbm>> -> memref<10000x64xf32, #tpu.memory_space<hbm>>
      tpu.wait_indirect_dma semaphore(%arg17 : memref<!tpu.dma_semaphore, #tpu.memory_space<semaphore_mem>>) src(%dma_wait3A_291 : memref<10000x64xf32, #tpu.memory_space<hbm>>) dst(%arg12 : memref<128x64xf32, #tpu.memory_space<vmem>>)
      %dma_start3A_292 = arith.constant 0 : i32
      %dma_start3A_293 = tpu.memref_slice %arg8[%add3A_277, %dma_start3A_292] : memref<160x128xi32, #tpu.memory_space<vmem>> -> memref<1x128xi32, #tpu.memory_space<vmem>>
      %dma_start3A_294 = tpu.memref_squeeze %dma_start3A_293 : memref<1x128xi32, #tpu.memory_space<vmem>> -> memref<128xi32, #tpu.memory_space<vmem>>
      %dma_start3A_295 = arith.constant 0 : i32
      %dma_start3A_296 = arith.constant 0 : i32
      %dma_start3A_297 = tpu.memref_slice %arg13[%dma_start3A_295, %dma_start3A_296] : memref<10112x64xf32, #tpu.memory_space<vmem_shared>> -> memref<10112x64xf32, #tpu.memory_space<vmem_shared>>
      tpu.enqueue_indirect_dma source(%arg12 : memref<128x64xf32, #tpu.memory_space<vmem>>) target(%dma_start3A_297 : memref<10112x64xf32, #tpu.memory_space<vmem_shared>>) offsets(%dma_start3A_294 : memref<128xi32, #tpu.memory_space<vmem>>) semaphore(%arg21 : memref<!tpu.dma_semaphore, #tpu.memory_space<semaphore_mem>>) {add = true}
      %sub3A_298 = arith.constant 1 : i32
      %sub3A_299 = arith.subi %add3A_277, %sub3A_298 : i32
      %dma_wait3A_300 = arith.constant 0 : i32
      %dma_wait3A_301 = tpu.memref_slice %arg8[%sub3A_299, %dma_wait3A_300] : memref<160x128xi32, #tpu.memory_space<vmem>> -> memref<1x128xi32, #tpu.memory_space<vmem>>
      %dma_wait3A_302 = tpu.memref_squeeze %dma_wait3A_301 : memref<1x128xi32, #tpu.memory_space<vmem>> -> memref<128xi32, #tpu.memory_space<vmem>>
      %dma_wait3A_303 = arith.constant 0 : i32
      %dma_wait3A_304 = arith.constant 0 : i32
      %dma_wait3A_305 = tpu.memref_slice %arg13[%dma_wait3A_303, %dma_wait3A_304] : memref<10112x64xf32, #tpu.memory_space<vmem_shared>> -> memref<10112x64xf32, #tpu.memory_space<vmem_shared>>
      tpu.wait_indirect_dma semaphore(%arg20 : memref<!tpu.dma_semaphore, #tpu.memory_space<semaphore_mem>>) src(%arg11 : memref<128x64xf32, #tpu.memory_space<vmem>>) dst(%dma_wait3A_305 : memref<10112x64xf32, #tpu.memory_space<vmem_shared>>)
      %mul3A_306 = arith.constant 128 : i32
      %mul3A_307 = arith.muli %add3A_281, %mul3A_306 : i32
      %dma_start3A_308 = tpu.memref_slice %arg7[%mul3A_307] : memref<20480xi32, #tpu.memory_space<vmem>> -> memref<128xi32, #tpu.memory_space<vmem>>
      %dma_start3A_309 = arith.constant 0 : i32
      %dma_start3A_310 = arith.constant 0 : i32
      %dma_start3A_311 = tpu.memref_slice %arg2[%arg0, %dma_start3A_309, %dma_start3A_310] : memref<2x10000x64xf32, #tpu.memory_space<hbm>> -> memref<1x10000x64xf32, #tpu.memory_space<hbm>>
      %dma_start3A_312 = tpu.memref_squeeze %dma_start3A_311 : memref<1x10000x64xf32, #tpu.memory_space<hbm>> -> memref<10000x64xf32, #tpu.memory_space<hbm>>
      %dma_start3A_313 = arith.constant 0 : i32
      %dma_start3A_314 = arith.constant 0 : i32
      %dma_start3A_315 = tpu.memref_slice %dma_start3A_312[%dma_start3A_313, %dma_start3A_314] : memref<10000x64xf32, #tpu.memory_space<hbm>> -> memref<10000x64xf32, #tpu.memory_space<hbm>>
      tpu.enqueue_indirect_dma source(%dma_start3A_315 : memref<10000x64xf32, #tpu.memory_space<hbm>>) target(%arg11 : memref<128x64xf32, #tpu.memory_space<vmem>>) offsets(%dma_start3A_308 : memref<128xi32, #tpu.memory_space<vmem>>) semaphore(%arg16 : memref<!tpu.dma_semaphore, #tpu.memory_space<semaphore_mem>>)
      %add3A_316 = arith.constant 3 : i32
      %add3A_317 = arith.addi %add3A_196, %add3A_316 : i32
      %add3A_318 = arith.constant 3 : i32
      %add3A_319 = arith.addi %add3A_196, %add3A_318 : i32
      %add3A_320 = arith.constant 3 : i32
      %add3A_321 = arith.addi %add3A_319, %add3A_320 : i32
      %mul3A_322 = arith.constant 128 : i32
      %mul3A_323 = arith.muli %add3A_317, %mul3A_322 : i32
      %dma_wait3A_324 = tpu.memref_slice %arg7[%mul3A_323] : memref<20480xi32, #tpu.memory_space<vmem>> -> memref<128xi32, #tpu.memory_space<vmem>>
      %dma_wait3A_325 = arith.constant 0 : i32
      %dma_wait3A_326 = arith.constant 0 : i32
      %dma_wait3A_327 = tpu.memref_slice %arg2[%arg0, %dma_wait3A_325, %dma_wait3A_326] : memref<2x10000x64xf32, #tpu.memory_space<hbm>> -> memref<1x10000x64xf32, #tpu.memory_space<hbm>>
      %dma_wait3A_328 = tpu.memref_squeeze %dma_wait3A_327 : memref<1x10000x64xf32, #tpu.memory_space<hbm>> -> memref<10000x64xf32, #tpu.memory_space<hbm>>
      %dma_wait3A_329 = arith.constant 0 : i32
      %dma_wait3A_330 = arith.constant 0 : i32
      %dma_wait3A_331 = tpu.memref_slice %dma_wait3A_328[%dma_wait3A_329, %dma_wait3A_330] : memref<10000x64xf32, #tpu.memory_space<hbm>> -> memref<10000x64xf32, #tpu.memory_space<hbm>>
      tpu.wait_indirect_dma semaphore(%arg14 : memref<!tpu.dma_semaphore, #tpu.memory_space<semaphore_mem>>) src(%dma_wait3A_331 : memref<10000x64xf32, #tpu.memory_space<hbm>>) dst(%arg9 : memref<128x64xf32, #tpu.memory_space<vmem>>)
      %dma_start3A_332 = arith.constant 0 : i32
      %dma_start3A_333 = tpu.memref_slice %arg8[%add3A_317, %dma_start3A_332] : memref<160x128xi32, #tpu.memory_space<vmem>> -> memref<1x128xi32, #tpu.memory_space<vmem>>
      %dma_start3A_334 = tpu.memref_squeeze %dma_start3A_333 : memref<1x128xi32, #tpu.memory_space<vmem>> -> memref<128xi32, #tpu.memory_space<vmem>>
      %dma_start3A_335 = arith.constant 0 : i32
      %dma_start3A_336 = arith.constant 0 : i32
      %dma_start3A_337 = tpu.memref_slice %arg13[%dma_start3A_335, %dma_start3A_336] : memref<10112x64xf32, #tpu.memory_space<vmem_shared>> -> memref<10112x64xf32, #tpu.memory_space<vmem_shared>>
      tpu.enqueue_indirect_dma source(%arg9 : memref<128x64xf32, #tpu.memory_space<vmem>>) target(%dma_start3A_337 : memref<10112x64xf32, #tpu.memory_space<vmem_shared>>) offsets(%dma_start3A_334 : memref<128xi32, #tpu.memory_space<vmem>>) semaphore(%arg18 : memref<!tpu.dma_semaphore, #tpu.memory_space<semaphore_mem>>) {add = true}
      %sub3A_338 = arith.constant 1 : i32
      %sub3A_339 = arith.subi %add3A_317, %sub3A_338 : i32
      %dma_wait3A_340 = arith.constant 0 : i32
      %dma_wait3A_341 = tpu.memref_slice %arg8[%sub3A_339, %dma_wait3A_340] : memref<160x128xi32, #tpu.memory_space<vmem>> -> memref<1x128xi32, #tpu.memory_space<vmem>>
      %dma_wait3A_342 = tpu.memref_squeeze %dma_wait3A_341 : memref<1x128xi32, #tpu.memory_space<vmem>> -> memref<128xi32, #tpu.memory_space<vmem>>
      %dma_wait3A_343 = arith.constant 0 : i32
      %dma_wait3A_344 = arith.constant 0 : i32
      %dma_wait3A_345 = tpu.memref_slice %arg13[%dma_wait3A_343, %dma_wait3A_344] : memref<10112x64xf32, #tpu.memory_space<vmem_shared>> -> memref<10112x64xf32, #tpu.memory_space<vmem_shared>>
      tpu.wait_indirect_dma semaphore(%arg21 : memref<!tpu.dma_semaphore, #tpu.memory_space<semaphore_mem>>) src(%arg12 : memref<128x64xf32, #tpu.memory_space<vmem>>) dst(%dma_wait3A_345 : memref<10112x64xf32, #tpu.memory_space<vmem_shared>>)
      %mul3A_346 = arith.constant 128 : i32
      %mul3A_347 = arith.muli %add3A_321, %mul3A_346 : i32
      %dma_start3A_348 = tpu.memref_slice %arg7[%mul3A_347] : memref<20480xi32, #tpu.memory_space<vmem>> -> memref<128xi32, #tpu.memory_space<vmem>>
      %dma_start3A_349 = arith.constant 0 : i32
      %dma_start3A_350 = arith.constant 0 : i32
      %dma_start3A_351 = tpu.memref_slice %arg2[%arg0, %dma_start3A_349, %dma_start3A_350] : memref<2x10000x64xf32, #tpu.memory_space<hbm>> -> memref<1x10000x64xf32, #tpu.memory_space<hbm>>
      %dma_start3A_352 = tpu.memref_squeeze %dma_start3A_351 : memref<1x10000x64xf32, #tpu.memory_space<hbm>> -> memref<10000x64xf32, #tpu.memory_space<hbm>>
      %dma_start3A_353 = arith.constant 0 : i32
      %dma_start3A_354 = arith.constant 0 : i32
      %dma_start3A_355 = tpu.memref_slice %dma_start3A_352[%dma_start3A_353, %dma_start3A_354] : memref<10000x64xf32, #tpu.memory_space<hbm>> -> memref<10000x64xf32, #tpu.memory_space<hbm>>
      tpu.enqueue_indirect_dma source(%dma_start3A_355 : memref<10000x64xf32, #tpu.memory_space<hbm>>) target(%arg12 : memref<128x64xf32, #tpu.memory_space<vmem>>) offsets(%dma_start3A_348 : memref<128xi32, #tpu.memory_space<vmem>>) semaphore(%arg17 : memref<!tpu.dma_semaphore, #tpu.memory_space<semaphore_mem>>)
    }
    %scan3A_57 = arith.constant 39 : i32
    %dma_wait3A_58 = arith.constant 20096 : i32
    %dma_wait3A_59 = tpu.memref_slice %arg7[%dma_wait3A_58] : memref<20480xi32, #tpu.memory_space<vmem>> -> memref<128xi32, #tpu.memory_space<vmem>>
    %dma_wait3A_60 = arith.constant 0 : i32
    %dma_wait3A_61 = arith.constant 0 : i32
    %dma_wait3A_62 = tpu.memref_slice %arg2[%arg0, %dma_wait3A_60, %dma_wait3A_61] : memref<2x10000x64xf32, #tpu.memory_space<hbm>> -> memref<1x10000x64xf32, #tpu.memory_space<hbm>>
    %dma_wait3A_63 = tpu.memref_squeeze %dma_wait3A_62 : memref<1x10000x64xf32, #tpu.memory_space<hbm>> -> memref<10000x64xf32, #tpu.memory_space<hbm>>
    %dma_wait3A_64 = arith.constant 0 : i32
    %dma_wait3A_65 = arith.constant 0 : i32
    %dma_wait3A_66 = tpu.memref_slice %dma_wait3A_63[%dma_wait3A_64, %dma_wait3A_65] : memref<10000x64xf32, #tpu.memory_space<hbm>> -> memref<10000x64xf32, #tpu.memory_space<hbm>>
    tpu.wait_indirect_dma semaphore(%arg15 : memref<!tpu.dma_semaphore, #tpu.memory_space<semaphore_mem>>) src(%dma_wait3A_66 : memref<10000x64xf32, #tpu.memory_space<hbm>>) dst(%arg10 : memref<128x64xf32, #tpu.memory_space<vmem>>)
    %dma_start3A_67 = arith.constant 157 : i32
    %dma_start3A_68 = arith.constant 0 : i32
    %dma_start3A_69 = tpu.memref_slice %arg8[%dma_start3A_67, %dma_start3A_68] : memref<160x128xi32, #tpu.memory_space<vmem>> -> memref<1x128xi32, #tpu.memory_space<vmem>>
    %dma_start3A_70 = tpu.memref_squeeze %dma_start3A_69 : memref<1x128xi32, #tpu.memory_space<vmem>> -> memref<128xi32, #tpu.memory_space<vmem>>
    %dma_start3A_71 = arith.constant 0 : i32
    %dma_start3A_72 = arith.constant 0 : i32
    %dma_start3A_73 = tpu.memref_slice %arg13[%dma_start3A_71, %dma_start3A_72] : memref<10112x64xf32, #tpu.memory_space<vmem_shared>> -> memref<10112x64xf32, #tpu.memory_space<vmem_shared>>
    tpu.enqueue_indirect_dma source(%arg10 : memref<128x64xf32, #tpu.memory_space<vmem>>) target(%dma_start3A_73 : memref<10112x64xf32, #tpu.memory_space<vmem_shared>>) offsets(%dma_start3A_70 : memref<128xi32, #tpu.memory_space<vmem>>) semaphore(%arg19 : memref<!tpu.dma_semaphore, #tpu.memory_space<semaphore_mem>>) {add = true}
    %dma_wait3A_74 = arith.constant 156 : i32
    %dma_wait3A_75 = arith.constant 0 : i32
    %dma_wait3A_76 = tpu.memref_slice %arg8[%dma_wait3A_74, %dma_wait3A_75] : memref<160x128xi32, #tpu.memory_space<vmem>> -> memref<1x128xi32, #tpu.memory_space<vmem>>
    %dma_wait3A_77 = tpu.memref_squeeze %dma_wait3A_76 : memref<1x128xi32, #tpu.memory_space<vmem>> -> memref<128xi32, #tpu.memory_space<vmem>>
    %dma_wait3A_78 = arith.constant 0 : i32
    %dma_wait3A_79 = arith.constant 0 : i32
    %dma_wait3A_80 = tpu.memref_slice %arg13[%dma_wait3A_78, %dma_wait3A_79] : memref<10112x64xf32, #tpu.memory_space<vmem_shared>> -> memref<10112x64xf32, #tpu.memory_space<vmem_shared>>
    tpu.wait_indirect_dma semaphore(%arg18 : memref<!tpu.dma_semaphore, #tpu.memory_space<semaphore_mem>>) src(%arg9 : memref<128x64xf32, #tpu.memory_space<vmem>>) dst(%dma_wait3A_80 : memref<10112x64xf32, #tpu.memory_space<vmem_shared>>)
    %dma_start3A_81 = arith.constant 0 : i32
    %dma_start3A_82 = tpu.memref_slice %arg7[%dma_start3A_81] : memref<20480xi32, #tpu.memory_space<vmem>> -> memref<128xi32, #tpu.memory_space<vmem>>
    %dma_start3A_83 = arith.constant 0 : i32
    %dma_start3A_84 = arith.constant 0 : i32
    %dma_start3A_85 = tpu.memref_slice %arg2[%arg0, %dma_start3A_83, %dma_start3A_84] : memref<2x10000x64xf32, #tpu.memory_space<hbm>> -> memref<1x10000x64xf32, #tpu.memory_space<hbm>>
    %dma_start3A_86 = tpu.memref_squeeze %dma_start3A_85 : memref<1x10000x64xf32, #tpu.memory_space<hbm>> -> memref<10000x64xf32, #tpu.memory_space<hbm>>
    %dma_start3A_87 = arith.constant 0 : i32
    %dma_start3A_88 = arith.constant 0 : i32
    %dma_start3A_89 = tpu.memref_slice %dma_start3A_86[%dma_start3A_87, %dma_start3A_88] : memref<10000x64xf32, #tpu.memory_space<hbm>> -> memref<10000x64xf32, #tpu.memory_space<hbm>>
    tpu.enqueue_indirect_dma source(%dma_start3A_89 : memref<10000x64xf32, #tpu.memory_space<hbm>>) target(%arg9 : memref<128x64xf32, #tpu.memory_space<vmem>>) offsets(%dma_start3A_82 : memref<128xi32, #tpu.memory_space<vmem>>) semaphore(%arg14 : memref<!tpu.dma_semaphore, #tpu.memory_space<semaphore_mem>>)
    %dma_wait3A_90 = arith.constant 20224 : i32
    %dma_wait3A_91 = tpu.memref_slice %arg7[%dma_wait3A_90] : memref<20480xi32, #tpu.memory_space<vmem>> -> memref<128xi32, #tpu.memory_space<vmem>>
    %dma_wait3A_92 = arith.constant 0 : i32
    %dma_wait3A_93 = arith.constant 0 : i32
    %dma_wait3A_94 = tpu.memref_slice %arg2[%arg0, %dma_wait3A_92, %dma_wait3A_93] : memref<2x10000x64xf32, #tpu.memory_space<hbm>> -> memref<1x10000x64xf32, #tpu.memory_space<hbm>>
    %dma_wait3A_95 = tpu.memref_squeeze %dma_wait3A_94 : memref<1x10000x64xf32, #tpu.memory_space<hbm>> -> memref<10000x64xf32, #tpu.memory_space<hbm>>
    %dma_wait3A_96 = arith.constant 0 : i32
    %dma_wait3A_97 = arith.constant 0 : i32
    %dma_wait3A_98 = tpu.memref_slice %dma_wait3A_95[%dma_wait3A_96, %dma_wait3A_97] : memref<10000x64xf32, #tpu.memory_space<hbm>> -> memref<10000x64xf32, #tpu.memory_space<hbm>>
    tpu.wait_indirect_dma semaphore(%arg16 : memref<!tpu.dma_semaphore, #tpu.memory_space<semaphore_mem>>) src(%dma_wait3A_98 : memref<10000x64xf32, #tpu.memory_space<hbm>>) dst(%arg11 : memref<128x64xf32, #tpu.memory_space<vmem>>)
    %dma_start3A_99 = arith.constant 158 : i32
    %dma_start3A_100 = arith.constant 0 : i32
    %dma_start3A_101 = tpu.memref_slice %arg8[%dma_start3A_99, %dma_start3A_100] : memref<160x128xi32, #tpu.memory_space<vmem>> -> memref<1x128xi32, #tpu.memory_space<vmem>>
    %dma_start3A_102 = tpu.memref_squeeze %dma_start3A_101 : memref<1x128xi32, #tpu.memory_space<vmem>> -> memref<128xi32, #tpu.memory_space<vmem>>
    %dma_start3A_103 = arith.constant 0 : i32
    %dma_start3A_104 = arith.constant 0 : i32
    %dma_start3A_105 = tpu.memref_slice %arg13[%dma_start3A_103, %dma_start3A_104] : memref<10112x64xf32, #tpu.memory_space<vmem_shared>> -> memref<10112x64xf32, #tpu.memory_space<vmem_shared>>
    tpu.enqueue_indirect_dma source(%arg11 : memref<128x64xf32, #tpu.memory_space<vmem>>) target(%dma_start3A_105 : memref<10112x64xf32, #tpu.memory_space<vmem_shared>>) offsets(%dma_start3A_102 : memref<128xi32, #tpu.memory_space<vmem>>) semaphore(%arg20 : memref<!tpu.dma_semaphore, #tpu.memory_space<semaphore_mem>>) {add = true}
    %dma_wait3A_106 = arith.constant 157 : i32
    %dma_wait3A_107 = arith.constant 0 : i32
    %dma_wait3A_108 = tpu.memref_slice %arg8[%dma_wait3A_106, %dma_wait3A_107] : memref<160x128xi32, #tpu.memory_space<vmem>> -> memref<1x128xi32, #tpu.memory_space<vmem>>
    %dma_wait3A_109 = tpu.memref_squeeze %dma_wait3A_108 : memref<1x128xi32, #tpu.memory_space<vmem>> -> memref<128xi32, #tpu.memory_space<vmem>>
    %dma_wait3A_110 = arith.constant 0 : i32
    %dma_wait3A_111 = arith.constant 0 : i32
    %dma_wait3A_112 = tpu.memref_slice %arg13[%dma_wait3A_110, %dma_wait3A_111] : memref<10112x64xf32, #tpu.memory_space<vmem_shared>> -> memref<10112x64xf32, #tpu.memory_space<vmem_shared>>
    tpu.wait_indirect_dma semaphore(%arg19 : memref<!tpu.dma_semaphore, #tpu.memory_space<semaphore_mem>>) src(%arg10 : memref<128x64xf32, #tpu.memory_space<vmem>>) dst(%dma_wait3A_112 : memref<10112x64xf32, #tpu.memory_space<vmem_shared>>)
    %dma_start3A_113 = arith.constant 128 : i32
    %dma_start3A_114 = tpu.memref_slice %arg7[%dma_start3A_113] : memref<20480xi32, #tpu.memory_space<vmem>> -> memref<128xi32, #tpu.memory_space<vmem>>
    %dma_start3A_115 = arith.constant 0 : i32
    %dma_start3A_116 = arith.constant 0 : i32
    %dma_start3A_117 = tpu.memref_slice %arg2[%arg0, %dma_start3A_115, %dma_start3A_116] : memref<2x10000x64xf32, #tpu.memory_space<hbm>> -> memref<1x10000x64xf32, #tpu.memory_space<hbm>>
    %dma_start3A_118 = tpu.memref_squeeze %dma_start3A_117 : memref<1x10000x64xf32, #tpu.memory_space<hbm>> -> memref<10000x64xf32, #tpu.memory_space<hbm>>
    %dma_start3A_119 = arith.constant 0 : i32
    %dma_start3A_120 = arith.constant 0 : i32
    %dma_start3A_121 = tpu.memref_slice %dma_start3A_118[%dma_start3A_119, %dma_start3A_120] : memref<10000x64xf32, #tpu.memory_space<hbm>> -> memref<10000x64xf32, #tpu.memory_space<hbm>>
    tpu.enqueue_indirect_dma source(%dma_start3A_121 : memref<10000x64xf32, #tpu.memory_space<hbm>>) target(%arg10 : memref<128x64xf32, #tpu.memory_space<vmem>>) offsets(%dma_start3A_114 : memref<128xi32, #tpu.memory_space<vmem>>) semaphore(%arg15 : memref<!tpu.dma_semaphore, #tpu.memory_space<semaphore_mem>>)
    %dma_wait3A_122 = arith.constant 20352 : i32
    %dma_wait3A_123 = tpu.memref_slice %arg7[%dma_wait3A_122] : memref<20480xi32, #tpu.memory_space<vmem>> -> memref<128xi32, #tpu.memory_space<vmem>>
    %dma_wait3A_124 = arith.constant 0 : i32
    %dma_wait3A_125 = arith.constant 0 : i32
    %dma_wait3A_126 = tpu.memref_slice %arg2[%arg0, %dma_wait3A_124, %dma_wait3A_125] : memref<2x10000x64xf32, #tpu.memory_space<hbm>> -> memref<1x10000x64xf32, #tpu.memory_space<hbm>>
    %dma_wait3A_127 = tpu.memref_squeeze %dma_wait3A_126 : memref<1x10000x64xf32, #tpu.memory_space<hbm>> -> memref<10000x64xf32, #tpu.memory_space<hbm>>
    %dma_wait3A_128 = arith.constant 0 : i32
    %dma_wait3A_129 = arith.constant 0 : i32
    %dma_wait3A_130 = tpu.memref_slice %dma_wait3A_127[%dma_wait3A_128, %dma_wait3A_129] : memref<10000x64xf32, #tpu.memory_space<hbm>> -> memref<10000x64xf32, #tpu.memory_space<hbm>>
    tpu.wait_indirect_dma semaphore(%arg17 : memref<!tpu.dma_semaphore, #tpu.memory_space<semaphore_mem>>) src(%dma_wait3A_130 : memref<10000x64xf32, #tpu.memory_space<hbm>>) dst(%arg12 : memref<128x64xf32, #tpu.memory_space<vmem>>)
    %dma_start3A_131 = arith.constant 159 : i32
    %dma_start3A_132 = arith.constant 0 : i32
    %dma_start3A_133 = tpu.memref_slice %arg8[%dma_start3A_131, %dma_start3A_132] : memref<160x128xi32, #tpu.memory_space<vmem>> -> memref<1x128xi32, #tpu.memory_space<vmem>>
    %dma_start3A_134 = tpu.memref_squeeze %dma_start3A_133 : memref<1x128xi32, #tpu.memory_space<vmem>> -> memref<128xi32, #tpu.memory_space<vmem>>
    %dma_start3A_135 = arith.constant 0 : i32
    %dma_start3A_136 = arith.constant 0 : i32
    %dma_start3A_137 = tpu.memref_slice %arg13[%dma_start3A_135, %dma_start3A_136] : memref<10112x64xf32, #tpu.memory_space<vmem_shared>> -> memref<10112x64xf32, #tpu.memory_space<vmem_shared>>
    tpu.enqueue_indirect_dma source(%arg12 : memref<128x64xf32, #tpu.memory_space<vmem>>) target(%dma_start3A_137 : memref<10112x64xf32, #tpu.memory_space<vmem_shared>>) offsets(%dma_start3A_134 : memref<128xi32, #tpu.memory_space<vmem>>) semaphore(%arg21 : memref<!tpu.dma_semaphore, #tpu.memory_space<semaphore_mem>>) {add = true}
    %dma_wait3A_138 = arith.constant 158 : i32
    %dma_wait3A_139 = arith.constant 0 : i32
    %dma_wait3A_140 = tpu.memref_slice %arg8[%dma_wait3A_138, %dma_wait3A_139] : memref<160x128xi32, #tpu.memory_space<vmem>> -> memref<1x128xi32, #tpu.memory_space<vmem>>
    %dma_wait3A_141 = tpu.memref_squeeze %dma_wait3A_140 : memref<1x128xi32, #tpu.memory_space<vmem>> -> memref<128xi32, #tpu.memory_space<vmem>>
    %dma_wait3A_142 = arith.constant 0 : i32
    %dma_wait3A_143 = arith.constant 0 : i32
    %dma_wait3A_144 = tpu.memref_slice %arg13[%dma_wait3A_142, %dma_wait3A_143] : memref<10112x64xf32, #tpu.memory_space<vmem_shared>> -> memref<10112x64xf32, #tpu.memory_space<vmem_shared>>
    tpu.wait_indirect_dma semaphore(%arg20 : memref<!tpu.dma_semaphore, #tpu.memory_space<semaphore_mem>>) src(%arg11 : memref<128x64xf32, #tpu.memory_space<vmem>>) dst(%dma_wait3A_144 : memref<10112x64xf32, #tpu.memory_space<vmem_shared>>)
    %dma_start3A_145 = arith.constant 256 : i32
    %dma_start3A_146 = tpu.memref_slice %arg7[%dma_start3A_145] : memref<20480xi32, #tpu.memory_space<vmem>> -> memref<128xi32, #tpu.memory_space<vmem>>
    %dma_start3A_147 = arith.constant 0 : i32
    %dma_start3A_148 = arith.constant 0 : i32
    %dma_start3A_149 = tpu.memref_slice %arg2[%arg0, %dma_start3A_147, %dma_start3A_148] : memref<2x10000x64xf32, #tpu.memory_space<hbm>> -> memref<1x10000x64xf32, #tpu.memory_space<hbm>>
    %dma_start3A_150 = tpu.memref_squeeze %dma_start3A_149 : memref<1x10000x64xf32, #tpu.memory_space<hbm>> -> memref<10000x64xf32, #tpu.memory_space<hbm>>
    %dma_start3A_151 = arith.constant 0 : i32
    %dma_start3A_152 = arith.constant 0 : i32
    %dma_start3A_153 = tpu.memref_slice %dma_start3A_150[%dma_start3A_151, %dma_start3A_152] : memref<10000x64xf32, #tpu.memory_space<hbm>> -> memref<10000x64xf32, #tpu.memory_space<hbm>>
    tpu.enqueue_indirect_dma source(%dma_start3A_153 : memref<10000x64xf32, #tpu.memory_space<hbm>>) target(%arg11 : memref<128x64xf32, #tpu.memory_space<vmem>>) offsets(%dma_start3A_146 : memref<128xi32, #tpu.memory_space<vmem>>) semaphore(%arg16 : memref<!tpu.dma_semaphore, #tpu.memory_space<semaphore_mem>>)
    %dma_wait3A_154 = arith.constant 159 : i32
    %dma_wait3A_155 = arith.constant 0 : i32
    %dma_wait3A_156 = tpu.memref_slice %arg8[%dma_wait3A_154, %dma_wait3A_155] : memref<160x128xi32, #tpu.memory_space<vmem>> -> memref<1x128xi32, #tpu.memory_space<vmem>>
    %dma_wait3A_157 = tpu.memref_squeeze %dma_wait3A_156 : memref<1x128xi32, #tpu.memory_space<vmem>> -> memref<128xi32, #tpu.memory_space<vmem>>
    %dma_wait3A_158 = arith.constant 0 : i32
    %dma_wait3A_159 = arith.constant 0 : i32
    %dma_wait3A_160 = tpu.memref_slice %arg13[%dma_wait3A_158, %dma_wait3A_159] : memref<10112x64xf32, #tpu.memory_space<vmem_shared>> -> memref<10112x64xf32, #tpu.memory_space<vmem_shared>>
    tpu.wait_indirect_dma semaphore(%arg21 : memref<!tpu.dma_semaphore, #tpu.memory_space<semaphore_mem>>) src(%arg12 : memref<128x64xf32, #tpu.memory_space<vmem>>) dst(%dma_wait3A_160 : memref<10112x64xf32, #tpu.memory_space<vmem_shared>>)
    %dma_wait3A_161 = arith.constant 0 : i32
    %dma_wait3A_162 = tpu.memref_slice %arg7[%dma_wait3A_161] : memref<20480xi32, #tpu.memory_space<vmem>> -> memref<128xi32, #tpu.memory_space<vmem>>
    %dma_wait3A_163 = arith.constant 0 : i32
    %dma_wait3A_164 = arith.constant 0 : i32
    %dma_wait3A_165 = tpu.memref_slice %arg2[%arg0, %dma_wait3A_163, %dma_wait3A_164] : memref<2x10000x64xf32, #tpu.memory_space<hbm>> -> memref<1x10000x64xf32, #tpu.memory_space<hbm>>
    %dma_wait3A_166 = tpu.memref_squeeze %dma_wait3A_165 : memref<1x10000x64xf32, #tpu.memory_space<hbm>> -> memref<10000x64xf32, #tpu.memory_space<hbm>>
    %dma_wait3A_167 = arith.constant 0 : i32
    %dma_wait3A_168 = arith.constant 0 : i32
    %dma_wait3A_169 = tpu.memref_slice %dma_wait3A_166[%dma_wait3A_167, %dma_wait3A_168] : memref<10000x64xf32, #tpu.memory_space<hbm>> -> memref<10000x64xf32, #tpu.memory_space<hbm>>
    tpu.wait_indirect_dma semaphore(%arg14 : memref<!tpu.dma_semaphore, #tpu.memory_space<semaphore_mem>>) src(%dma_wait3A_169 : memref<10000x64xf32, #tpu.memory_space<hbm>>) dst(%arg9 : memref<128x64xf32, #tpu.memory_space<vmem>>)
    %dma_wait3A_170 = arith.constant 128 : i32
    %dma_wait3A_171 = tpu.memref_slice %arg7[%dma_wait3A_170] : memref<20480xi32, #tpu.memory_space<vmem>> -> memref<128xi32, #tpu.memory_space<vmem>>
    %dma_wait3A_172 = arith.constant 0 : i32
    %dma_wait3A_173 = arith.constant 0 : i32
    %dma_wait3A_174 = tpu.memref_slice %arg2[%arg0, %dma_wait3A_172, %dma_wait3A_173] : memref<2x10000x64xf32, #tpu.memory_space<hbm>> -> memref<1x10000x64xf32, #tpu.memory_space<hbm>>
    %dma_wait3A_175 = tpu.memref_squeeze %dma_wait3A_174 : memref<1x10000x64xf32, #tpu.memory_space<hbm>> -> memref<10000x64xf32, #tpu.memory_space<hbm>>
    %dma_wait3A_176 = arith.constant 0 : i32
    %dma_wait3A_177 = arith.constant 0 : i32
    %dma_wait3A_178 = tpu.memref_slice %dma_wait3A_175[%dma_wait3A_176, %dma_wait3A_177] : memref<10000x64xf32, #tpu.memory_space<hbm>> -> memref<10000x64xf32, #tpu.memory_space<hbm>>
    tpu.wait_indirect_dma semaphore(%arg15 : memref<!tpu.dma_semaphore, #tpu.memory_space<semaphore_mem>>) src(%dma_wait3A_178 : memref<10000x64xf32, #tpu.memory_space<hbm>>) dst(%arg10 : memref<128x64xf32, #tpu.memory_space<vmem>>)
    %dma_wait3A_179 = arith.constant 256 : i32
    %dma_wait3A_180 = tpu.memref_slice %arg7[%dma_wait3A_179] : memref<20480xi32, #tpu.memory_space<vmem>> -> memref<128xi32, #tpu.memory_space<vmem>>
    %dma_wait3A_181 = arith.constant 0 : i32
    %dma_wait3A_182 = arith.constant 0 : i32
    %dma_wait3A_183 = tpu.memref_slice %arg2[%arg0, %dma_wait3A_181, %dma_wait3A_182] : memref<2x10000x64xf32, #tpu.memory_space<hbm>> -> memref<1x10000x64xf32, #tpu.memory_space<hbm>>
    %dma_wait3A_184 = tpu.memref_squeeze %dma_wait3A_183 : memref<1x10000x64xf32, #tpu.memory_space<hbm>> -> memref<10000x64xf32, #tpu.memory_space<hbm>>
    %dma_wait3A_185 = arith.constant 0 : i32
    %dma_wait3A_186 = arith.constant 0 : i32
    %dma_wait3A_187 = tpu.memref_slice %dma_wait3A_184[%dma_wait3A_185, %dma_wait3A_186] : memref<10000x64xf32, #tpu.memory_space<hbm>> -> memref<10000x64xf32, #tpu.memory_space<hbm>>
    tpu.wait_indirect_dma semaphore(%arg16 : memref<!tpu.dma_semaphore, #tpu.memory_space<semaphore_mem>>) src(%dma_wait3A_187 : memref<10000x64xf32, #tpu.memory_space<hbm>>) dst(%arg11 : memref<128x64xf32, #tpu.memory_space<vmem>>)
    %barrier3A_188 = arith.constant 0 : index
    tpu.barrier barrier_id(%barrier3A_188)
    %mul3A_189 = arith.constant 632 : i32
    %mul3A_190 = arith.muli %arg1, %mul3A_189 : i32
    %mul3A_191 = arith.constant 632 : i32
    %mul3A_192 = arith.muli %arg1, %mul3A_191 : i32
    "tpu.region"() ({
      %run_scoped3A = tpu.sem_alloc : memref<!tpu.dma_semaphore, #tpu.memory_space<semaphore_mem>>
      %dma_start3A_193 = arith.constant 0 : i32
      %dma_start3A_194 = tpu.memref_slice %arg6[%arg0, %mul3A_192, %dma_start3A_193] : memref<2x10112x64xf32, #tpu.memory_space<hbm>> -> memref<1x632x64xf32, #tpu.memory_space<hbm>>
      %dma_start3A_195 = tpu.memref_squeeze %dma_start3A_194 : memref<1x632x64xf32, #tpu.memory_space<hbm>> -> memref<632x64xf32, #tpu.memory_space<hbm>>
      %dma_start3A_196 = arith.constant 0 : i32
      %dma_start3A_197 = tpu.memref_slice %arg13[%mul3A_190, %dma_start3A_196] : memref<10112x64xf32, #tpu.memory_space<vmem_shared>> -> memref<632x64xf32, #tpu.memory_space<vmem_shared>>
      tpu.enqueue_dma source(%dma_start3A_197 : memref<632x64xf32, #tpu.memory_space<vmem_shared>>) target(%dma_start3A_195 : memref<632x64xf32, #tpu.memory_space<hbm>>) target_semaphore(%run_scoped3A : memref<!tpu.dma_semaphore, #tpu.memory_space<semaphore_mem>>)
      %dma_wait3A_198 = arith.constant 0 : i32
      %dma_wait3A_199 = tpu.memref_slice %arg6[%arg0, %mul3A_192, %dma_wait3A_198] : memref<2x10112x64xf32, #tpu.memory_space<hbm>> -> memref<1x632x64xf32, #tpu.memory_space<hbm>>
      %dma_wait3A_200 = tpu.memref_squeeze %dma_wait3A_199 : memref<1x632x64xf32, #tpu.memory_space<hbm>> -> memref<632x64xf32, #tpu.memory_space<hbm>>
      %dma_wait3A_201 = arith.constant 0 : i32
      %dma_wait3A_202 = tpu.memref_slice %arg13[%mul3A_190, %dma_wait3A_201] : memref<10112x64xf32, #tpu.memory_space<vmem_shared>> -> memref<632x64xf32, #tpu.memory_space<vmem_shared>>
      tpu.wait_dma2 semaphore(%run_scoped3A : memref<!tpu.dma_semaphore, #tpu.memory_space<semaphore_mem>>) src(%dma_wait3A_202 : memref<632x64xf32, #tpu.memory_space<vmem_shared>>) dst(%dma_wait3A_200 : memref<632x64xf32, #tpu.memory_space<hbm>>)
      tpu.yield
    }) : () -> ()
    return
  }
}

#map = affine_map<(d0, d1) -> (0, 0, 0)>
#map1 = affine_map<(d0, d1) -> (0, 0)>
module attributes {stable_mosaic.version = 14 : i64} {
  func.func @_gin_agg(%arg0: i32, %arg1: i32, %arg2: memref<2x10000x64xf32, #tpu.memory_space<hbm>>, %arg3: memref<16x20480xi32, #tpu.memory_space<hbm>>, %arg4: memref<16x160x128xi32, #tpu.memory_space<hbm>>, %arg5: memref<10112x64xf32, #tpu.memory_space<hbm>>, %arg6: memref<2x10112x64xf32, #tpu.memory_space<hbm>>, %arg7: memref<20480xi32, #tpu.memory_space<vmem>>, %arg8: memref<160x128xi32, #tpu.memory_space<vmem>>, %arg9: memref<128x64xf32, #tpu.memory_space<vmem>>, %arg10: memref<128x64xf32, #tpu.memory_space<vmem>>, %arg11: memref<128x64xf32, #tpu.memory_space<vmem>>, %arg12: memref<128x64xf32, #tpu.memory_space<vmem>>, %arg13: memref<10112x64xf32, #tpu.memory_space<vmem_shared>>, %arg14: memref<!tpu.dma_semaphore, #tpu.memory_space<semaphore_mem>>, %arg15: memref<!tpu.dma_semaphore, #tpu.memory_space<semaphore_mem>>, %arg16: memref<!tpu.dma_semaphore, #tpu.memory_space<semaphore_mem>>, %arg17: memref<!tpu.dma_semaphore, #tpu.memory_space<semaphore_mem>>, %arg18: memref<!tpu.dma_semaphore, #tpu.memory_space<semaphore_mem>>, %arg19: memref<!tpu.dma_semaphore, #tpu.memory_space<semaphore_mem>>, %arg20: memref<!tpu.dma_semaphore, #tpu.memory_space<semaphore_mem>>, %arg21: memref<!tpu.dma_semaphore, #tpu.memory_space<semaphore_mem>>) attributes {dimension_semantics = [#tpu.dimension_semantics<core_parallel>, #tpu.dimension_semantics<subcore_parallel>], iteration_bounds = array<i64: 2, 16>, scalar_prefetch = 0 : i64, scratch_operands = 15 : i64, tpu.core_type = #tpu.core_type<sc_vector_subcore>, window_params = [{transform_indices = #map}, {transform_indices = #map1}, {transform_indices = #map}, {transform_indices = #map1}, {transform_indices = #map}]} {
    "tpu.region"() ({
      %run_scoped3A = tpu.sem_alloc : memref<!tpu.dma_semaphore, #tpu.memory_space<semaphore_mem>>
      %dma_start3A_193 = arith.constant 0 : i32
      %dma_start3A_194 = tpu.memref_slice %arg3[%arg1, %dma_start3A_193] : memref<16x20480xi32, #tpu.memory_space<hbm>> -> memref<1x20480xi32, #tpu.memory_space<hbm>>
      %dma_start3A_195 = tpu.memref_squeeze %dma_start3A_194 : memref<1x20480xi32, #tpu.memory_space<hbm>> -> memref<20480xi32, #tpu.memory_space<hbm>>
      %dma_start3A_196 = arith.constant 0 : i32
      %dma_start3A_197 = tpu.memref_slice %arg3[%arg1, %dma_start3A_196] : memref<16x20480xi32, #tpu.memory_space<hbm>> -> memref<1x20480xi32, #tpu.memory_space<hbm>>
      %dma_start3A_198 = tpu.memref_squeeze %dma_start3A_197 : memref<1x20480xi32, #tpu.memory_space<hbm>> -> memref<20480xi32, #tpu.memory_space<hbm>>
      tpu.enqueue_dma source(%dma_start3A_198 : memref<20480xi32, #tpu.memory_space<hbm>>) target(%arg7 : memref<20480xi32, #tpu.memory_space<vmem>>) target_semaphore(%run_scoped3A : memref<!tpu.dma_semaphore, #tpu.memory_space<semaphore_mem>>)
      %dma_wait3A_199 = arith.constant 0 : i32
      %dma_wait3A_200 = tpu.memref_slice %arg3[%arg1, %dma_wait3A_199] : memref<16x20480xi32, #tpu.memory_space<hbm>> -> memref<1x20480xi32, #tpu.memory_space<hbm>>
      %dma_wait3A_201 = tpu.memref_squeeze %dma_wait3A_200 : memref<1x20480xi32, #tpu.memory_space<hbm>> -> memref<20480xi32, #tpu.memory_space<hbm>>
      %dma_wait3A_202 = arith.constant 0 : i32
      %dma_wait3A_203 = tpu.memref_slice %arg3[%arg1, %dma_wait3A_202] : memref<16x20480xi32, #tpu.memory_space<hbm>> -> memref<1x20480xi32, #tpu.memory_space<hbm>>
      %dma_wait3A_204 = tpu.memref_squeeze %dma_wait3A_203 : memref<1x20480xi32, #tpu.memory_space<hbm>> -> memref<20480xi32, #tpu.memory_space<hbm>>
      tpu.wait_dma2 semaphore(%run_scoped3A : memref<!tpu.dma_semaphore, #tpu.memory_space<semaphore_mem>>) src(%dma_wait3A_204 : memref<20480xi32, #tpu.memory_space<hbm>>) dst(%arg7 : memref<20480xi32, #tpu.memory_space<vmem>>)
      tpu.yield
    }) : () -> ()
    "tpu.region"() ({
      %run_scoped3A = tpu.sem_alloc : memref<!tpu.dma_semaphore, #tpu.memory_space<semaphore_mem>>
      %dma_start3A_193 = arith.constant 0 : i32
      %dma_start3A_194 = arith.constant 0 : i32
      %dma_start3A_195 = tpu.memref_slice %arg4[%arg1, %dma_start3A_193, %dma_start3A_194] : memref<16x160x128xi32, #tpu.memory_space<hbm>> -> memref<1x160x128xi32, #tpu.memory_space<hbm>>
      %dma_start3A_196 = tpu.memref_squeeze %dma_start3A_195 : memref<1x160x128xi32, #tpu.memory_space<hbm>> -> memref<160x128xi32, #tpu.memory_space<hbm>>
      %dma_start3A_197 = arith.constant 0 : i32
      %dma_start3A_198 = arith.constant 0 : i32
      %dma_start3A_199 = tpu.memref_slice %arg4[%arg1, %dma_start3A_197, %dma_start3A_198] : memref<16x160x128xi32, #tpu.memory_space<hbm>> -> memref<1x160x128xi32, #tpu.memory_space<hbm>>
      %dma_start3A_200 = tpu.memref_squeeze %dma_start3A_199 : memref<1x160x128xi32, #tpu.memory_space<hbm>> -> memref<160x128xi32, #tpu.memory_space<hbm>>
      tpu.enqueue_dma source(%dma_start3A_200 : memref<160x128xi32, #tpu.memory_space<hbm>>) target(%arg8 : memref<160x128xi32, #tpu.memory_space<vmem>>) target_semaphore(%run_scoped3A : memref<!tpu.dma_semaphore, #tpu.memory_space<semaphore_mem>>)
      %dma_wait3A_201 = arith.constant 0 : i32
      %dma_wait3A_202 = arith.constant 0 : i32
      %dma_wait3A_203 = tpu.memref_slice %arg4[%arg1, %dma_wait3A_201, %dma_wait3A_202] : memref<16x160x128xi32, #tpu.memory_space<hbm>> -> memref<1x160x128xi32, #tpu.memory_space<hbm>>
      %dma_wait3A_204 = tpu.memref_squeeze %dma_wait3A_203 : memref<1x160x128xi32, #tpu.memory_space<hbm>> -> memref<160x128xi32, #tpu.memory_space<hbm>>
      %dma_wait3A_205 = arith.constant 0 : i32
      %dma_wait3A_206 = arith.constant 0 : i32
      %dma_wait3A_207 = tpu.memref_slice %arg4[%arg1, %dma_wait3A_205, %dma_wait3A_206] : memref<16x160x128xi32, #tpu.memory_space<hbm>> -> memref<1x160x128xi32, #tpu.memory_space<hbm>>
      %dma_wait3A_208 = tpu.memref_squeeze %dma_wait3A_207 : memref<1x160x128xi32, #tpu.memory_space<hbm>> -> memref<160x128xi32, #tpu.memory_space<hbm>>
      tpu.wait_dma2 semaphore(%run_scoped3A : memref<!tpu.dma_semaphore, #tpu.memory_space<semaphore_mem>>) src(%dma_wait3A_208 : memref<160x128xi32, #tpu.memory_space<hbm>>) dst(%arg8 : memref<160x128xi32, #tpu.memory_space<vmem>>)
      tpu.yield
    }) : () -> ()
    %mul3A = arith.constant 632 : i32
    %mul3A_0 = arith.muli %arg1, %mul3A : i32
    %mul3A_1 = arith.constant 632 : i32
    %mul3A_2 = arith.muli %arg1, %mul3A_1 : i32
    "tpu.region"() ({
      %run_scoped3A = tpu.sem_alloc : memref<!tpu.dma_semaphore, #tpu.memory_space<semaphore_mem>>
      %dma_start3A_193 = arith.constant 0 : i32
      %dma_start3A_194 = tpu.memref_slice %arg13[%mul3A_2, %dma_start3A_193] : memref<10112x64xf32, #tpu.memory_space<vmem_shared>> -> memref<632x64xf32, #tpu.memory_space<vmem_shared>>
      %dma_start3A_195 = arith.constant 0 : i32
      %dma_start3A_196 = tpu.memref_slice %arg5[%mul3A_0, %dma_start3A_195] : memref<10112x64xf32, #tpu.memory_space<hbm>> -> memref<632x64xf32, #tpu.memory_space<hbm>>
      tpu.enqueue_dma source(%dma_start3A_196 : memref<632x64xf32, #tpu.memory_space<hbm>>) target(%dma_start3A_194 : memref<632x64xf32, #tpu.memory_space<vmem_shared>>) target_semaphore(%run_scoped3A : memref<!tpu.dma_semaphore, #tpu.memory_space<semaphore_mem>>)
      %dma_wait3A_197 = arith.constant 0 : i32
      %dma_wait3A_198 = tpu.memref_slice %arg13[%mul3A_2, %dma_wait3A_197] : memref<10112x64xf32, #tpu.memory_space<vmem_shared>> -> memref<632x64xf32, #tpu.memory_space<vmem_shared>>
      %dma_wait3A_199 = arith.constant 0 : i32
      %dma_wait3A_200 = tpu.memref_slice %arg5[%mul3A_0, %dma_wait3A_199] : memref<10112x64xf32, #tpu.memory_space<hbm>> -> memref<632x64xf32, #tpu.memory_space<hbm>>
      tpu.wait_dma2 semaphore(%run_scoped3A : memref<!tpu.dma_semaphore, #tpu.memory_space<semaphore_mem>>) src(%dma_wait3A_200 : memref<632x64xf32, #tpu.memory_space<hbm>>) dst(%dma_wait3A_198 : memref<632x64xf32, #tpu.memory_space<vmem_shared>>)
      tpu.yield
    }) : () -> ()
    %barrier3A = arith.constant 0 : index
    tpu.barrier barrier_id(%barrier3A)
    %dma_start3A = arith.constant 0 : i32
    %dma_start3A_3 = tpu.memref_slice %arg7[%dma_start3A] : memref<20480xi32, #tpu.memory_space<vmem>> -> memref<128xi32, #tpu.memory_space<vmem>>
    %dma_start3A_4 = arith.constant 0 : i32
    %dma_start3A_5 = arith.constant 0 : i32
    %dma_start3A_6 = tpu.memref_slice %arg2[%arg0, %dma_start3A_4, %dma_start3A_5] : memref<2x10000x64xf32, #tpu.memory_space<hbm>> -> memref<1x10000x64xf32, #tpu.memory_space<hbm>>
    %dma_start3A_7 = tpu.memref_squeeze %dma_start3A_6 : memref<1x10000x64xf32, #tpu.memory_space<hbm>> -> memref<10000x64xf32, #tpu.memory_space<hbm>>
    %dma_start3A_8 = arith.constant 0 : i32
    %dma_start3A_9 = arith.constant 0 : i32
    %dma_start3A_10 = tpu.memref_slice %dma_start3A_7[%dma_start3A_8, %dma_start3A_9] : memref<10000x64xf32, #tpu.memory_space<hbm>> -> memref<10000x64xf32, #tpu.memory_space<hbm>>
    tpu.enqueue_indirect_dma source(%dma_start3A_10 : memref<10000x64xf32, #tpu.memory_space<hbm>>) target(%arg9 : memref<128x64xf32, #tpu.memory_space<vmem>>) offsets(%dma_start3A_3 : memref<128xi32, #tpu.memory_space<vmem>>) semaphore(%arg14 : memref<!tpu.dma_semaphore, #tpu.memory_space<semaphore_mem>>)
    %dma_start3A_11 = arith.constant 128 : i32
    %dma_start3A_12 = tpu.memref_slice %arg7[%dma_start3A_11] : memref<20480xi32, #tpu.memory_space<vmem>> -> memref<128xi32, #tpu.memory_space<vmem>>
    %dma_start3A_13 = arith.constant 0 : i32
    %dma_start3A_14 = arith.constant 0 : i32
    %dma_start3A_15 = tpu.memref_slice %arg2[%arg0, %dma_start3A_13, %dma_start3A_14] : memref<2x10000x64xf32, #tpu.memory_space<hbm>> -> memref<1x10000x64xf32, #tpu.memory_space<hbm>>
    %dma_start3A_16 = tpu.memref_squeeze %dma_start3A_15 : memref<1x10000x64xf32, #tpu.memory_space<hbm>> -> memref<10000x64xf32, #tpu.memory_space<hbm>>
    %dma_start3A_17 = arith.constant 0 : i32
    %dma_start3A_18 = arith.constant 0 : i32
    %dma_start3A_19 = tpu.memref_slice %dma_start3A_16[%dma_start3A_17, %dma_start3A_18] : memref<10000x64xf32, #tpu.memory_space<hbm>> -> memref<10000x64xf32, #tpu.memory_space<hbm>>
    tpu.enqueue_indirect_dma source(%dma_start3A_19 : memref<10000x64xf32, #tpu.memory_space<hbm>>) target(%arg10 : memref<128x64xf32, #tpu.memory_space<vmem>>) offsets(%dma_start3A_12 : memref<128xi32, #tpu.memory_space<vmem>>) semaphore(%arg15 : memref<!tpu.dma_semaphore, #tpu.memory_space<semaphore_mem>>)
    %dma_start3A_20 = arith.constant 256 : i32
    %dma_start3A_21 = tpu.memref_slice %arg7[%dma_start3A_20] : memref<20480xi32, #tpu.memory_space<vmem>> -> memref<128xi32, #tpu.memory_space<vmem>>
    %dma_start3A_22 = arith.constant 0 : i32
    %dma_start3A_23 = arith.constant 0 : i32
    %dma_start3A_24 = tpu.memref_slice %arg2[%arg0, %dma_start3A_22, %dma_start3A_23] : memref<2x10000x64xf32, #tpu.memory_space<hbm>> -> memref<1x10000x64xf32, #tpu.memory_space<hbm>>
    %dma_start3A_25 = tpu.memref_squeeze %dma_start3A_24 : memref<1x10000x64xf32, #tpu.memory_space<hbm>> -> memref<10000x64xf32, #tpu.memory_space<hbm>>
    %dma_start3A_26 = arith.constant 0 : i32
    %dma_start3A_27 = arith.constant 0 : i32
    %dma_start3A_28 = tpu.memref_slice %dma_start3A_25[%dma_start3A_26, %dma_start3A_27] : memref<10000x64xf32, #tpu.memory_space<hbm>> -> memref<10000x64xf32, #tpu.memory_space<hbm>>
    tpu.enqueue_indirect_dma source(%dma_start3A_28 : memref<10000x64xf32, #tpu.memory_space<hbm>>) target(%arg11 : memref<128x64xf32, #tpu.memory_space<vmem>>) offsets(%dma_start3A_21 : memref<128xi32, #tpu.memory_space<vmem>>) semaphore(%arg16 : memref<!tpu.dma_semaphore, #tpu.memory_space<semaphore_mem>>)
    %dma_wait3A = arith.constant 0 : i32
    %dma_wait3A_29 = tpu.memref_slice %arg7[%dma_wait3A] : memref<20480xi32, #tpu.memory_space<vmem>> -> memref<128xi32, #tpu.memory_space<vmem>>
    %dma_wait3A_30 = arith.constant 0 : i32
    %dma_wait3A_31 = arith.constant 0 : i32
    %dma_wait3A_32 = tpu.memref_slice %arg2[%arg0, %dma_wait3A_30, %dma_wait3A_31] : memref<2x10000x64xf32, #tpu.memory_space<hbm>> -> memref<1x10000x64xf32, #tpu.memory_space<hbm>>
    %dma_wait3A_33 = tpu.memref_squeeze %dma_wait3A_32 : memref<1x10000x64xf32, #tpu.memory_space<hbm>> -> memref<10000x64xf32, #tpu.memory_space<hbm>>
    %dma_wait3A_34 = arith.constant 0 : i32
    %dma_wait3A_35 = arith.constant 0 : i32
    %dma_wait3A_36 = tpu.memref_slice %dma_wait3A_33[%dma_wait3A_34, %dma_wait3A_35] : memref<10000x64xf32, #tpu.memory_space<hbm>> -> memref<10000x64xf32, #tpu.memory_space<hbm>>
    tpu.wait_indirect_dma semaphore(%arg14 : memref<!tpu.dma_semaphore, #tpu.memory_space<semaphore_mem>>) src(%dma_wait3A_36 : memref<10000x64xf32, #tpu.memory_space<hbm>>) dst(%arg9 : memref<128x64xf32, #tpu.memory_space<vmem>>)
    %dma_start3A_37 = arith.constant 0 : i32
    %dma_start3A_38 = arith.constant 0 : i32
    %dma_start3A_39 = tpu.memref_slice %arg8[%dma_start3A_37, %dma_start3A_38] : memref<160x128xi32, #tpu.memory_space<vmem>> -> memref<1x128xi32, #tpu.memory_space<vmem>>
    %dma_start3A_40 = tpu.memref_squeeze %dma_start3A_39 : memref<1x128xi32, #tpu.memory_space<vmem>> -> memref<128xi32, #tpu.memory_space<vmem>>
    %dma_start3A_41 = arith.constant 0 : i32
    %dma_start3A_42 = arith.constant 0 : i32
    %dma_start3A_43 = tpu.memref_slice %arg13[%dma_start3A_41, %dma_start3A_42] : memref<10112x64xf32, #tpu.memory_space<vmem_shared>> -> memref<10112x64xf32, #tpu.memory_space<vmem_shared>>
    tpu.enqueue_indirect_dma source(%arg9 : memref<128x64xf32, #tpu.memory_space<vmem>>) target(%dma_start3A_43 : memref<10112x64xf32, #tpu.memory_space<vmem_shared>>) offsets(%dma_start3A_40 : memref<128xi32, #tpu.memory_space<vmem>>) semaphore(%arg18 : memref<!tpu.dma_semaphore, #tpu.memory_space<semaphore_mem>>) {add = true}
    %dma_start3A_44 = arith.constant 384 : i32
    %dma_start3A_45 = tpu.memref_slice %arg7[%dma_start3A_44] : memref<20480xi32, #tpu.memory_space<vmem>> -> memref<128xi32, #tpu.memory_space<vmem>>
    %dma_start3A_46 = arith.constant 0 : i32
    %dma_start3A_47 = arith.constant 0 : i32
    %dma_start3A_48 = tpu.memref_slice %arg2[%arg0, %dma_start3A_46, %dma_start3A_47] : memref<2x10000x64xf32, #tpu.memory_space<hbm>> -> memref<1x10000x64xf32, #tpu.memory_space<hbm>>
    %dma_start3A_49 = tpu.memref_squeeze %dma_start3A_48 : memref<1x10000x64xf32, #tpu.memory_space<hbm>> -> memref<10000x64xf32, #tpu.memory_space<hbm>>
    %dma_start3A_50 = arith.constant 0 : i32
    %dma_start3A_51 = arith.constant 0 : i32
    %dma_start3A_52 = tpu.memref_slice %dma_start3A_49[%dma_start3A_50, %dma_start3A_51] : memref<10000x64xf32, #tpu.memory_space<hbm>> -> memref<10000x64xf32, #tpu.memory_space<hbm>>
    tpu.enqueue_indirect_dma source(%dma_start3A_52 : memref<10000x64xf32, #tpu.memory_space<hbm>>) target(%arg12 : memref<128x64xf32, #tpu.memory_space<vmem>>) offsets(%dma_start3A_45 : memref<128xi32, #tpu.memory_space<vmem>>) semaphore(%arg17 : memref<!tpu.dma_semaphore, #tpu.memory_space<semaphore_mem>>)
    %scan3A = arith.constant 0 : i32
    %scan3A_53 = arith.constant 0 : i32
    %scan3A_54 = arith.constant 39 : i32
    %scan3A_55 = arith.addi %scan3A_53, %scan3A_54 : i32
    %scan3A_56 = arith.constant 1 : i32
    scf.for %scan3A_193 = %scan3A_53 to %scan3A_55 step %scan3A_56  : i32 {
      %mul3A_194 = arith.constant 4 : i32
      %mul3A_195 = arith.muli %mul3A_194, %scan3A_193 : i32
      %add3A = arith.constant 1 : i32
      %add3A_196 = arith.addi %mul3A_195, %add3A : i32
      %add3A_197 = arith.constant 0 : i32
      %add3A_198 = arith.addi %add3A_196, %add3A_197 : i32
      %add3A_199 = arith.constant 0 : i32
      %add3A_200 = arith.addi %add3A_196, %add3A_199 : i32
      %add3A_201 = arith.constant 3 : i32
      %add3A_202 = arith.addi %add3A_200, %add3A_201 : i32
      %mul3A_203 = arith.constant 128 : i32
      %mul3A_204 = arith.muli %add3A_198, %mul3A_203 : i32
      %dma_wait3A_205 = tpu.memref_slice %arg7[%mul3A_204] : memref<20480xi32, #tpu.memory_space<vmem>> -> memref<128xi32, #tpu.memory_space<vmem>>
      %dma_wait3A_206 = arith.constant 0 : i32
      %dma_wait3A_207 = arith.constant 0 : i32
      %dma_wait3A_208 = tpu.memref_slice %arg2[%arg0, %dma_wait3A_206, %dma_wait3A_207] : memref<2x10000x64xf32, #tpu.memory_space<hbm>> -> memref<1x10000x64xf32, #tpu.memory_space<hbm>>
      %dma_wait3A_209 = tpu.memref_squeeze %dma_wait3A_208 : memref<1x10000x64xf32, #tpu.memory_space<hbm>> -> memref<10000x64xf32, #tpu.memory_space<hbm>>
      %dma_wait3A_210 = arith.constant 0 : i32
      %dma_wait3A_211 = arith.constant 0 : i32
      %dma_wait3A_212 = tpu.memref_slice %dma_wait3A_209[%dma_wait3A_210, %dma_wait3A_211] : memref<10000x64xf32, #tpu.memory_space<hbm>> -> memref<10000x64xf32, #tpu.memory_space<hbm>>
      tpu.wait_indirect_dma semaphore(%arg15 : memref<!tpu.dma_semaphore, #tpu.memory_space<semaphore_mem>>) src(%dma_wait3A_212 : memref<10000x64xf32, #tpu.memory_space<hbm>>) dst(%arg10 : memref<128x64xf32, #tpu.memory_space<vmem>>)
      %dma_start3A_213 = arith.constant 0 : i32
      %dma_start3A_214 = tpu.memref_slice %arg8[%add3A_198, %dma_start3A_213] : memref<160x128xi32, #tpu.memory_space<vmem>> -> memref<1x128xi32, #tpu.memory_space<vmem>>
      %dma_start3A_215 = tpu.memref_squeeze %dma_start3A_214 : memref<1x128xi32, #tpu.memory_space<vmem>> -> memref<128xi32, #tpu.memory_space<vmem>>
      %dma_start3A_216 = arith.constant 0 : i32
      %dma_start3A_217 = arith.constant 0 : i32
      %dma_start3A_218 = tpu.memref_slice %arg13[%dma_start3A_216, %dma_start3A_217] : memref<10112x64xf32, #tpu.memory_space<vmem_shared>> -> memref<10112x64xf32, #tpu.memory_space<vmem_shared>>
      tpu.enqueue_indirect_dma source(%arg10 : memref<128x64xf32, #tpu.memory_space<vmem>>) target(%dma_start3A_218 : memref<10112x64xf32, #tpu.memory_space<vmem_shared>>) offsets(%dma_start3A_215 : memref<128xi32, #tpu.memory_space<vmem>>) semaphore(%arg19 : memref<!tpu.dma_semaphore, #tpu.memory_space<semaphore_mem>>) {add = true}
      %sub3A = arith.constant 1 : i32
      %sub3A_219 = arith.subi %add3A_198, %sub3A : i32
      %dma_wait3A_220 = arith.constant 0 : i32
      %dma_wait3A_221 = tpu.memref_slice %arg8[%sub3A_219, %dma_wait3A_220] : memref<160x128xi32, #tpu.memory_space<vmem>> -> memref<1x128xi32, #tpu.memory_space<vmem>>
      %dma_wait3A_222 = tpu.memref_squeeze %dma_wait3A_221 : memref<1x128xi32, #tpu.memory_space<vmem>> -> memref<128xi32, #tpu.memory_space<vmem>>
      %dma_wait3A_223 = arith.constant 0 : i32
      %dma_wait3A_224 = arith.constant 0 : i32
      %dma_wait3A_225 = tpu.memref_slice %arg13[%dma_wait3A_223, %dma_wait3A_224] : memref<10112x64xf32, #tpu.memory_space<vmem_shared>> -> memref<10112x64xf32, #tpu.memory_space<vmem_shared>>
      tpu.wait_indirect_dma semaphore(%arg18 : memref<!tpu.dma_semaphore, #tpu.memory_space<semaphore_mem>>) src(%arg9 : memref<128x64xf32, #tpu.memory_space<vmem>>) dst(%dma_wait3A_225 : memref<10112x64xf32, #tpu.memory_space<vmem_shared>>)
      %mul3A_226 = arith.constant 128 : i32
      %mul3A_227 = arith.muli %add3A_202, %mul3A_226 : i32
      %dma_start3A_228 = tpu.memref_slice %arg7[%mul3A_227] : memref<20480xi32, #tpu.memory_space<vmem>> -> memref<128xi32, #tpu.memory_space<vmem>>
      %dma_start3A_229 = arith.constant 0 : i32
      %dma_start3A_230 = arith.constant 0 : i32
      %dma_start3A_231 = tpu.memref_slice %arg2[%arg0, %dma_start3A_229, %dma_start3A_230] : memref<2x10000x64xf32, #tpu.memory_space<hbm>> -> memref<1x10000x64xf32, #tpu.memory_space<hbm>>
      %dma_start3A_232 = tpu.memref_squeeze %dma_start3A_231 : memref<1x10000x64xf32, #tpu.memory_space<hbm>> -> memref<10000x64xf32, #tpu.memory_space<hbm>>
      %dma_start3A_233 = arith.constant 0 : i32
      %dma_start3A_234 = arith.constant 0 : i32
      %dma_start3A_235 = tpu.memref_slice %dma_start3A_232[%dma_start3A_233, %dma_start3A_234] : memref<10000x64xf32, #tpu.memory_space<hbm>> -> memref<10000x64xf32, #tpu.memory_space<hbm>>
      tpu.enqueue_indirect_dma source(%dma_start3A_235 : memref<10000x64xf32, #tpu.memory_space<hbm>>) target(%arg9 : memref<128x64xf32, #tpu.memory_space<vmem>>) offsets(%dma_start3A_228 : memref<128xi32, #tpu.memory_space<vmem>>) semaphore(%arg14 : memref<!tpu.dma_semaphore, #tpu.memory_space<semaphore_mem>>)
      %add3A_236 = arith.constant 1 : i32
      %add3A_237 = arith.addi %add3A_196, %add3A_236 : i32
      %add3A_238 = arith.constant 1 : i32
      %add3A_239 = arith.addi %add3A_196, %add3A_238 : i32
      %add3A_240 = arith.constant 3 : i32
      %add3A_241 = arith.addi %add3A_239, %add3A_240 : i32
      %mul3A_242 = arith.constant 128 : i32
      %mul3A_243 = arith.muli %add3A_237, %mul3A_242 : i32
      %dma_wait3A_244 = tpu.memref_slice %arg7[%mul3A_243] : memref<20480xi32, #tpu.memory_space<vmem>> -> memref<128xi32, #tpu.memory_space<vmem>>
      %dma_wait3A_245 = arith.constant 0 : i32
      %dma_wait3A_246 = arith.constant 0 : i32
      %dma_wait3A_247 = tpu.memref_slice %arg2[%arg0, %dma_wait3A_245, %dma_wait3A_246] : memref<2x10000x64xf32, #tpu.memory_space<hbm>> -> memref<1x10000x64xf32, #tpu.memory_space<hbm>>
      %dma_wait3A_248 = tpu.memref_squeeze %dma_wait3A_247 : memref<1x10000x64xf32, #tpu.memory_space<hbm>> -> memref<10000x64xf32, #tpu.memory_space<hbm>>
      %dma_wait3A_249 = arith.constant 0 : i32
      %dma_wait3A_250 = arith.constant 0 : i32
      %dma_wait3A_251 = tpu.memref_slice %dma_wait3A_248[%dma_wait3A_249, %dma_wait3A_250] : memref<10000x64xf32, #tpu.memory_space<hbm>> -> memref<10000x64xf32, #tpu.memory_space<hbm>>
      tpu.wait_indirect_dma semaphore(%arg16 : memref<!tpu.dma_semaphore, #tpu.memory_space<semaphore_mem>>) src(%dma_wait3A_251 : memref<10000x64xf32, #tpu.memory_space<hbm>>) dst(%arg11 : memref<128x64xf32, #tpu.memory_space<vmem>>)
      %dma_start3A_252 = arith.constant 0 : i32
      %dma_start3A_253 = tpu.memref_slice %arg8[%add3A_237, %dma_start3A_252] : memref<160x128xi32, #tpu.memory_space<vmem>> -> memref<1x128xi32, #tpu.memory_space<vmem>>
      %dma_start3A_254 = tpu.memref_squeeze %dma_start3A_253 : memref<1x128xi32, #tpu.memory_space<vmem>> -> memref<128xi32, #tpu.memory_space<vmem>>
      %dma_start3A_255 = arith.constant 0 : i32
      %dma_start3A_256 = arith.constant 0 : i32
      %dma_start3A_257 = tpu.memref_slice %arg13[%dma_start3A_255, %dma_start3A_256] : memref<10112x64xf32, #tpu.memory_space<vmem_shared>> -> memref<10112x64xf32, #tpu.memory_space<vmem_shared>>
      tpu.enqueue_indirect_dma source(%arg11 : memref<128x64xf32, #tpu.memory_space<vmem>>) target(%dma_start3A_257 : memref<10112x64xf32, #tpu.memory_space<vmem_shared>>) offsets(%dma_start3A_254 : memref<128xi32, #tpu.memory_space<vmem>>) semaphore(%arg20 : memref<!tpu.dma_semaphore, #tpu.memory_space<semaphore_mem>>) {add = true}
      %sub3A_258 = arith.constant 1 : i32
      %sub3A_259 = arith.subi %add3A_237, %sub3A_258 : i32
      %dma_wait3A_260 = arith.constant 0 : i32
      %dma_wait3A_261 = tpu.memref_slice %arg8[%sub3A_259, %dma_wait3A_260] : memref<160x128xi32, #tpu.memory_space<vmem>> -> memref<1x128xi32, #tpu.memory_space<vmem>>
      %dma_wait3A_262 = tpu.memref_squeeze %dma_wait3A_261 : memref<1x128xi32, #tpu.memory_space<vmem>> -> memref<128xi32, #tpu.memory_space<vmem>>
      %dma_wait3A_263 = arith.constant 0 : i32
      %dma_wait3A_264 = arith.constant 0 : i32
      %dma_wait3A_265 = tpu.memref_slice %arg13[%dma_wait3A_263, %dma_wait3A_264] : memref<10112x64xf32, #tpu.memory_space<vmem_shared>> -> memref<10112x64xf32, #tpu.memory_space<vmem_shared>>
      tpu.wait_indirect_dma semaphore(%arg19 : memref<!tpu.dma_semaphore, #tpu.memory_space<semaphore_mem>>) src(%arg10 : memref<128x64xf32, #tpu.memory_space<vmem>>) dst(%dma_wait3A_265 : memref<10112x64xf32, #tpu.memory_space<vmem_shared>>)
      %mul3A_266 = arith.constant 128 : i32
      %mul3A_267 = arith.muli %add3A_241, %mul3A_266 : i32
      %dma_start3A_268 = tpu.memref_slice %arg7[%mul3A_267] : memref<20480xi32, #tpu.memory_space<vmem>> -> memref<128xi32, #tpu.memory_space<vmem>>
      %dma_start3A_269 = arith.constant 0 : i32
      %dma_start3A_270 = arith.constant 0 : i32
      %dma_start3A_271 = tpu.memref_slice %arg2[%arg0, %dma_start3A_269, %dma_start3A_270] : memref<2x10000x64xf32, #tpu.memory_space<hbm>> -> memref<1x10000x64xf32, #tpu.memory_space<hbm>>
      %dma_start3A_272 = tpu.memref_squeeze %dma_start3A_271 : memref<1x10000x64xf32, #tpu.memory_space<hbm>> -> memref<10000x64xf32, #tpu.memory_space<hbm>>
      %dma_start3A_273 = arith.constant 0 : i32
      %dma_start3A_274 = arith.constant 0 : i32
      %dma_start3A_275 = tpu.memref_slice %dma_start3A_272[%dma_start3A_273, %dma_start3A_274] : memref<10000x64xf32, #tpu.memory_space<hbm>> -> memref<10000x64xf32, #tpu.memory_space<hbm>>
      tpu.enqueue_indirect_dma source(%dma_start3A_275 : memref<10000x64xf32, #tpu.memory_space<hbm>>) target(%arg10 : memref<128x64xf32, #tpu.memory_space<vmem>>) offsets(%dma_start3A_268 : memref<128xi32, #tpu.memory_space<vmem>>) semaphore(%arg15 : memref<!tpu.dma_semaphore, #tpu.memory_space<semaphore_mem>>)
      %add3A_276 = arith.constant 2 : i32
      %add3A_277 = arith.addi %add3A_196, %add3A_276 : i32
      %add3A_278 = arith.constant 2 : i32
      %add3A_279 = arith.addi %add3A_196, %add3A_278 : i32
      %add3A_280 = arith.constant 3 : i32
      %add3A_281 = arith.addi %add3A_279, %add3A_280 : i32
      %mul3A_282 = arith.constant 128 : i32
      %mul3A_283 = arith.muli %add3A_277, %mul3A_282 : i32
      %dma_wait3A_284 = tpu.memref_slice %arg7[%mul3A_283] : memref<20480xi32, #tpu.memory_space<vmem>> -> memref<128xi32, #tpu.memory_space<vmem>>
      %dma_wait3A_285 = arith.constant 0 : i32
      %dma_wait3A_286 = arith.constant 0 : i32
      %dma_wait3A_287 = tpu.memref_slice %arg2[%arg0, %dma_wait3A_285, %dma_wait3A_286] : memref<2x10000x64xf32, #tpu.memory_space<hbm>> -> memref<1x10000x64xf32, #tpu.memory_space<hbm>>
      %dma_wait3A_288 = tpu.memref_squeeze %dma_wait3A_287 : memref<1x10000x64xf32, #tpu.memory_space<hbm>> -> memref<10000x64xf32, #tpu.memory_space<hbm>>
      %dma_wait3A_289 = arith.constant 0 : i32
      %dma_wait3A_290 = arith.constant 0 : i32
      %dma_wait3A_291 = tpu.memref_slice %dma_wait3A_288[%dma_wait3A_289, %dma_wait3A_290] : memref<10000x64xf32, #tpu.memory_space<hbm>> -> memref<10000x64xf32, #tpu.memory_space<hbm>>
      tpu.wait_indirect_dma semaphore(%arg17 : memref<!tpu.dma_semaphore, #tpu.memory_space<semaphore_mem>>) src(%dma_wait3A_291 : memref<10000x64xf32, #tpu.memory_space<hbm>>) dst(%arg12 : memref<128x64xf32, #tpu.memory_space<vmem>>)
      %dma_start3A_292 = arith.constant 0 : i32
      %dma_start3A_293 = tpu.memref_slice %arg8[%add3A_277, %dma_start3A_292] : memref<160x128xi32, #tpu.memory_space<vmem>> -> memref<1x128xi32, #tpu.memory_space<vmem>>
      %dma_start3A_294 = tpu.memref_squeeze %dma_start3A_293 : memref<1x128xi32, #tpu.memory_space<vmem>> -> memref<128xi32, #tpu.memory_space<vmem>>
      %dma_start3A_295 = arith.constant 0 : i32
      %dma_start3A_296 = arith.constant 0 : i32
      %dma_start3A_297 = tpu.memref_slice %arg13[%dma_start3A_295, %dma_start3A_296] : memref<10112x64xf32, #tpu.memory_space<vmem_shared>> -> memref<10112x64xf32, #tpu.memory_space<vmem_shared>>
      tpu.enqueue_indirect_dma source(%arg12 : memref<128x64xf32, #tpu.memory_space<vmem>>) target(%dma_start3A_297 : memref<10112x64xf32, #tpu.memory_space<vmem_shared>>) offsets(%dma_start3A_294 : memref<128xi32, #tpu.memory_space<vmem>>) semaphore(%arg21 : memref<!tpu.dma_semaphore, #tpu.memory_space<semaphore_mem>>) {add = true}
      %sub3A_298 = arith.constant 1 : i32
      %sub3A_299 = arith.subi %add3A_277, %sub3A_298 : i32
      %dma_wait3A_300 = arith.constant 0 : i32
      %dma_wait3A_301 = tpu.memref_slice %arg8[%sub3A_299, %dma_wait3A_300] : memref<160x128xi32, #tpu.memory_space<vmem>> -> memref<1x128xi32, #tpu.memory_space<vmem>>
      %dma_wait3A_302 = tpu.memref_squeeze %dma_wait3A_301 : memref<1x128xi32, #tpu.memory_space<vmem>> -> memref<128xi32, #tpu.memory_space<vmem>>
      %dma_wait3A_303 = arith.constant 0 : i32
      %dma_wait3A_304 = arith.constant 0 : i32
      %dma_wait3A_305 = tpu.memref_slice %arg13[%dma_wait3A_303, %dma_wait3A_304] : memref<10112x64xf32, #tpu.memory_space<vmem_shared>> -> memref<10112x64xf32, #tpu.memory_space<vmem_shared>>
      tpu.wait_indirect_dma semaphore(%arg20 : memref<!tpu.dma_semaphore, #tpu.memory_space<semaphore_mem>>) src(%arg11 : memref<128x64xf32, #tpu.memory_space<vmem>>) dst(%dma_wait3A_305 : memref<10112x64xf32, #tpu.memory_space<vmem_shared>>)
      %mul3A_306 = arith.constant 128 : i32
      %mul3A_307 = arith.muli %add3A_281, %mul3A_306 : i32
      %dma_start3A_308 = tpu.memref_slice %arg7[%mul3A_307] : memref<20480xi32, #tpu.memory_space<vmem>> -> memref<128xi32, #tpu.memory_space<vmem>>
      %dma_start3A_309 = arith.constant 0 : i32
      %dma_start3A_310 = arith.constant 0 : i32
      %dma_start3A_311 = tpu.memref_slice %arg2[%arg0, %dma_start3A_309, %dma_start3A_310] : memref<2x10000x64xf32, #tpu.memory_space<hbm>> -> memref<1x10000x64xf32, #tpu.memory_space<hbm>>
      %dma_start3A_312 = tpu.memref_squeeze %dma_start3A_311 : memref<1x10000x64xf32, #tpu.memory_space<hbm>> -> memref<10000x64xf32, #tpu.memory_space<hbm>>
      %dma_start3A_313 = arith.constant 0 : i32
      %dma_start3A_314 = arith.constant 0 : i32
      %dma_start3A_315 = tpu.memref_slice %dma_start3A_312[%dma_start3A_313, %dma_start3A_314] : memref<10000x64xf32, #tpu.memory_space<hbm>> -> memref<10000x64xf32, #tpu.memory_space<hbm>>
      tpu.enqueue_indirect_dma source(%dma_start3A_315 : memref<10000x64xf32, #tpu.memory_space<hbm>>) target(%arg11 : memref<128x64xf32, #tpu.memory_space<vmem>>) offsets(%dma_start3A_308 : memref<128xi32, #tpu.memory_space<vmem>>) semaphore(%arg16 : memref<!tpu.dma_semaphore, #tpu.memory_space<semaphore_mem>>)
      %add3A_316 = arith.constant 3 : i32
      %add3A_317 = arith.addi %add3A_196, %add3A_316 : i32
      %add3A_318 = arith.constant 3 : i32
      %add3A_319 = arith.addi %add3A_196, %add3A_318 : i32
      %add3A_320 = arith.constant 3 : i32
      %add3A_321 = arith.addi %add3A_319, %add3A_320 : i32
      %mul3A_322 = arith.constant 128 : i32
      %mul3A_323 = arith.muli %add3A_317, %mul3A_322 : i32
      %dma_wait3A_324 = tpu.memref_slice %arg7[%mul3A_323] : memref<20480xi32, #tpu.memory_space<vmem>> -> memref<128xi32, #tpu.memory_space<vmem>>
      %dma_wait3A_325 = arith.constant 0 : i32
      %dma_wait3A_326 = arith.constant 0 : i32
      %dma_wait3A_327 = tpu.memref_slice %arg2[%arg0, %dma_wait3A_325, %dma_wait3A_326] : memref<2x10000x64xf32, #tpu.memory_space<hbm>> -> memref<1x10000x64xf32, #tpu.memory_space<hbm>>
      %dma_wait3A_328 = tpu.memref_squeeze %dma_wait3A_327 : memref<1x10000x64xf32, #tpu.memory_space<hbm>> -> memref<10000x64xf32, #tpu.memory_space<hbm>>
      %dma_wait3A_329 = arith.constant 0 : i32
      %dma_wait3A_330 = arith.constant 0 : i32
      %dma_wait3A_331 = tpu.memref_slice %dma_wait3A_328[%dma_wait3A_329, %dma_wait3A_330] : memref<10000x64xf32, #tpu.memory_space<hbm>> -> memref<10000x64xf32, #tpu.memory_space<hbm>>
      tpu.wait_indirect_dma semaphore(%arg14 : memref<!tpu.dma_semaphore, #tpu.memory_space<semaphore_mem>>) src(%dma_wait3A_331 : memref<10000x64xf32, #tpu.memory_space<hbm>>) dst(%arg9 : memref<128x64xf32, #tpu.memory_space<vmem>>)
      %dma_start3A_332 = arith.constant 0 : i32
      %dma_start3A_333 = tpu.memref_slice %arg8[%add3A_317, %dma_start3A_332] : memref<160x128xi32, #tpu.memory_space<vmem>> -> memref<1x128xi32, #tpu.memory_space<vmem>>
      %dma_start3A_334 = tpu.memref_squeeze %dma_start3A_333 : memref<1x128xi32, #tpu.memory_space<vmem>> -> memref<128xi32, #tpu.memory_space<vmem>>
      %dma_start3A_335 = arith.constant 0 : i32
      %dma_start3A_336 = arith.constant 0 : i32
      %dma_start3A_337 = tpu.memref_slice %arg13[%dma_start3A_335, %dma_start3A_336] : memref<10112x64xf32, #tpu.memory_space<vmem_shared>> -> memref<10112x64xf32, #tpu.memory_space<vmem_shared>>
      tpu.enqueue_indirect_dma source(%arg9 : memref<128x64xf32, #tpu.memory_space<vmem>>) target(%dma_start3A_337 : memref<10112x64xf32, #tpu.memory_space<vmem_shared>>) offsets(%dma_start3A_334 : memref<128xi32, #tpu.memory_space<vmem>>) semaphore(%arg18 : memref<!tpu.dma_semaphore, #tpu.memory_space<semaphore_mem>>) {add = true}
      %sub3A_338 = arith.constant 1 : i32
      %sub3A_339 = arith.subi %add3A_317, %sub3A_338 : i32
      %dma_wait3A_340 = arith.constant 0 : i32
      %dma_wait3A_341 = tpu.memref_slice %arg8[%sub3A_339, %dma_wait3A_340] : memref<160x128xi32, #tpu.memory_space<vmem>> -> memref<1x128xi32, #tpu.memory_space<vmem>>
      %dma_wait3A_342 = tpu.memref_squeeze %dma_wait3A_341 : memref<1x128xi32, #tpu.memory_space<vmem>> -> memref<128xi32, #tpu.memory_space<vmem>>
      %dma_wait3A_343 = arith.constant 0 : i32
      %dma_wait3A_344 = arith.constant 0 : i32
      %dma_wait3A_345 = tpu.memref_slice %arg13[%dma_wait3A_343, %dma_wait3A_344] : memref<10112x64xf32, #tpu.memory_space<vmem_shared>> -> memref<10112x64xf32, #tpu.memory_space<vmem_shared>>
      tpu.wait_indirect_dma semaphore(%arg21 : memref<!tpu.dma_semaphore, #tpu.memory_space<semaphore_mem>>) src(%arg12 : memref<128x64xf32, #tpu.memory_space<vmem>>) dst(%dma_wait3A_345 : memref<10112x64xf32, #tpu.memory_space<vmem_shared>>)
      %mul3A_346 = arith.constant 128 : i32
      %mul3A_347 = arith.muli %add3A_321, %mul3A_346 : i32
      %dma_start3A_348 = tpu.memref_slice %arg7[%mul3A_347] : memref<20480xi32, #tpu.memory_space<vmem>> -> memref<128xi32, #tpu.memory_space<vmem>>
      %dma_start3A_349 = arith.constant 0 : i32
      %dma_start3A_350 = arith.constant 0 : i32
      %dma_start3A_351 = tpu.memref_slice %arg2[%arg0, %dma_start3A_349, %dma_start3A_350] : memref<2x10000x64xf32, #tpu.memory_space<hbm>> -> memref<1x10000x64xf32, #tpu.memory_space<hbm>>
      %dma_start3A_352 = tpu.memref_squeeze %dma_start3A_351 : memref<1x10000x64xf32, #tpu.memory_space<hbm>> -> memref<10000x64xf32, #tpu.memory_space<hbm>>
      %dma_start3A_353 = arith.constant 0 : i32
      %dma_start3A_354 = arith.constant 0 : i32
      %dma_start3A_355 = tpu.memref_slice %dma_start3A_352[%dma_start3A_353, %dma_start3A_354] : memref<10000x64xf32, #tpu.memory_space<hbm>> -> memref<10000x64xf32, #tpu.memory_space<hbm>>
      tpu.enqueue_indirect_dma source(%dma_start3A_355 : memref<10000x64xf32, #tpu.memory_space<hbm>>) target(%arg12 : memref<128x64xf32, #tpu.memory_space<vmem>>) offsets(%dma_start3A_348 : memref<128xi32, #tpu.memory_space<vmem>>) semaphore(%arg17 : memref<!tpu.dma_semaphore, #tpu.memory_space<semaphore_mem>>)
    }
    %scan3A_57 = arith.constant 39 : i32
    %dma_wait3A_58 = arith.constant 20096 : i32
    %dma_wait3A_59 = tpu.memref_slice %arg7[%dma_wait3A_58] : memref<20480xi32, #tpu.memory_space<vmem>> -> memref<128xi32, #tpu.memory_space<vmem>>
    %dma_wait3A_60 = arith.constant 0 : i32
    %dma_wait3A_61 = arith.constant 0 : i32
    %dma_wait3A_62 = tpu.memref_slice %arg2[%arg0, %dma_wait3A_60, %dma_wait3A_61] : memref<2x10000x64xf32, #tpu.memory_space<hbm>> -> memref<1x10000x64xf32, #tpu.memory_space<hbm>>
    %dma_wait3A_63 = tpu.memref_squeeze %dma_wait3A_62 : memref<1x10000x64xf32, #tpu.memory_space<hbm>> -> memref<10000x64xf32, #tpu.memory_space<hbm>>
    %dma_wait3A_64 = arith.constant 0 : i32
    %dma_wait3A_65 = arith.constant 0 : i32
    %dma_wait3A_66 = tpu.memref_slice %dma_wait3A_63[%dma_wait3A_64, %dma_wait3A_65] : memref<10000x64xf32, #tpu.memory_space<hbm>> -> memref<10000x64xf32, #tpu.memory_space<hbm>>
    tpu.wait_indirect_dma semaphore(%arg15 : memref<!tpu.dma_semaphore, #tpu.memory_space<semaphore_mem>>) src(%dma_wait3A_66 : memref<10000x64xf32, #tpu.memory_space<hbm>>) dst(%arg10 : memref<128x64xf32, #tpu.memory_space<vmem>>)
    %dma_start3A_67 = arith.constant 157 : i32
    %dma_start3A_68 = arith.constant 0 : i32
    %dma_start3A_69 = tpu.memref_slice %arg8[%dma_start3A_67, %dma_start3A_68] : memref<160x128xi32, #tpu.memory_space<vmem>> -> memref<1x128xi32, #tpu.memory_space<vmem>>
    %dma_start3A_70 = tpu.memref_squeeze %dma_start3A_69 : memref<1x128xi32, #tpu.memory_space<vmem>> -> memref<128xi32, #tpu.memory_space<vmem>>
    %dma_start3A_71 = arith.constant 0 : i32
    %dma_start3A_72 = arith.constant 0 : i32
    %dma_start3A_73 = tpu.memref_slice %arg13[%dma_start3A_71, %dma_start3A_72] : memref<10112x64xf32, #tpu.memory_space<vmem_shared>> -> memref<10112x64xf32, #tpu.memory_space<vmem_shared>>
    tpu.enqueue_indirect_dma source(%arg10 : memref<128x64xf32, #tpu.memory_space<vmem>>) target(%dma_start3A_73 : memref<10112x64xf32, #tpu.memory_space<vmem_shared>>) offsets(%dma_start3A_70 : memref<128xi32, #tpu.memory_space<vmem>>) semaphore(%arg19 : memref<!tpu.dma_semaphore, #tpu.memory_space<semaphore_mem>>) {add = true}
    %dma_wait3A_74 = arith.constant 156 : i32
    %dma_wait3A_75 = arith.constant 0 : i32
    %dma_wait3A_76 = tpu.memref_slice %arg8[%dma_wait3A_74, %dma_wait3A_75] : memref<160x128xi32, #tpu.memory_space<vmem>> -> memref<1x128xi32, #tpu.memory_space<vmem>>
    %dma_wait3A_77 = tpu.memref_squeeze %dma_wait3A_76 : memref<1x128xi32, #tpu.memory_space<vmem>> -> memref<128xi32, #tpu.memory_space<vmem>>
    %dma_wait3A_78 = arith.constant 0 : i32
    %dma_wait3A_79 = arith.constant 0 : i32
    %dma_wait3A_80 = tpu.memref_slice %arg13[%dma_wait3A_78, %dma_wait3A_79] : memref<10112x64xf32, #tpu.memory_space<vmem_shared>> -> memref<10112x64xf32, #tpu.memory_space<vmem_shared>>
    tpu.wait_indirect_dma semaphore(%arg18 : memref<!tpu.dma_semaphore, #tpu.memory_space<semaphore_mem>>) src(%arg9 : memref<128x64xf32, #tpu.memory_space<vmem>>) dst(%dma_wait3A_80 : memref<10112x64xf32, #tpu.memory_space<vmem_shared>>)
    %dma_start3A_81 = arith.constant 0 : i32
    %dma_start3A_82 = tpu.memref_slice %arg7[%dma_start3A_81] : memref<20480xi32, #tpu.memory_space<vmem>> -> memref<128xi32, #tpu.memory_space<vmem>>
    %dma_start3A_83 = arith.constant 0 : i32
    %dma_start3A_84 = arith.constant 0 : i32
    %dma_start3A_85 = tpu.memref_slice %arg2[%arg0, %dma_start3A_83, %dma_start3A_84] : memref<2x10000x64xf32, #tpu.memory_space<hbm>> -> memref<1x10000x64xf32, #tpu.memory_space<hbm>>
    %dma_start3A_86 = tpu.memref_squeeze %dma_start3A_85 : memref<1x10000x64xf32, #tpu.memory_space<hbm>> -> memref<10000x64xf32, #tpu.memory_space<hbm>>
    %dma_start3A_87 = arith.constant 0 : i32
    %dma_start3A_88 = arith.constant 0 : i32
    %dma_start3A_89 = tpu.memref_slice %dma_start3A_86[%dma_start3A_87, %dma_start3A_88] : memref<10000x64xf32, #tpu.memory_space<hbm>> -> memref<10000x64xf32, #tpu.memory_space<hbm>>
    tpu.enqueue_indirect_dma source(%dma_start3A_89 : memref<10000x64xf32, #tpu.memory_space<hbm>>) target(%arg9 : memref<128x64xf32, #tpu.memory_space<vmem>>) offsets(%dma_start3A_82 : memref<128xi32, #tpu.memory_space<vmem>>) semaphore(%arg14 : memref<!tpu.dma_semaphore, #tpu.memory_space<semaphore_mem>>)
    %dma_wait3A_90 = arith.constant 20224 : i32
    %dma_wait3A_91 = tpu.memref_slice %arg7[%dma_wait3A_90] : memref<20480xi32, #tpu.memory_space<vmem>> -> memref<128xi32, #tpu.memory_space<vmem>>
    %dma_wait3A_92 = arith.constant 0 : i32
    %dma_wait3A_93 = arith.constant 0 : i32
    %dma_wait3A_94 = tpu.memref_slice %arg2[%arg0, %dma_wait3A_92, %dma_wait3A_93] : memref<2x10000x64xf32, #tpu.memory_space<hbm>> -> memref<1x10000x64xf32, #tpu.memory_space<hbm>>
    %dma_wait3A_95 = tpu.memref_squeeze %dma_wait3A_94 : memref<1x10000x64xf32, #tpu.memory_space<hbm>> -> memref<10000x64xf32, #tpu.memory_space<hbm>>
    %dma_wait3A_96 = arith.constant 0 : i32
    %dma_wait3A_97 = arith.constant 0 : i32
    %dma_wait3A_98 = tpu.memref_slice %dma_wait3A_95[%dma_wait3A_96, %dma_wait3A_97] : memref<10000x64xf32, #tpu.memory_space<hbm>> -> memref<10000x64xf32, #tpu.memory_space<hbm>>
    tpu.wait_indirect_dma semaphore(%arg16 : memref<!tpu.dma_semaphore, #tpu.memory_space<semaphore_mem>>) src(%dma_wait3A_98 : memref<10000x64xf32, #tpu.memory_space<hbm>>) dst(%arg11 : memref<128x64xf32, #tpu.memory_space<vmem>>)
    %dma_start3A_99 = arith.constant 158 : i32
    %dma_start3A_100 = arith.constant 0 : i32
    %dma_start3A_101 = tpu.memref_slice %arg8[%dma_start3A_99, %dma_start3A_100] : memref<160x128xi32, #tpu.memory_space<vmem>> -> memref<1x128xi32, #tpu.memory_space<vmem>>
    %dma_start3A_102 = tpu.memref_squeeze %dma_start3A_101 : memref<1x128xi32, #tpu.memory_space<vmem>> -> memref<128xi32, #tpu.memory_space<vmem>>
    %dma_start3A_103 = arith.constant 0 : i32
    %dma_start3A_104 = arith.constant 0 : i32
    %dma_start3A_105 = tpu.memref_slice %arg13[%dma_start3A_103, %dma_start3A_104] : memref<10112x64xf32, #tpu.memory_space<vmem_shared>> -> memref<10112x64xf32, #tpu.memory_space<vmem_shared>>
    tpu.enqueue_indirect_dma source(%arg11 : memref<128x64xf32, #tpu.memory_space<vmem>>) target(%dma_start3A_105 : memref<10112x64xf32, #tpu.memory_space<vmem_shared>>) offsets(%dma_start3A_102 : memref<128xi32, #tpu.memory_space<vmem>>) semaphore(%arg20 : memref<!tpu.dma_semaphore, #tpu.memory_space<semaphore_mem>>) {add = true}
    %dma_wait3A_106 = arith.constant 157 : i32
    %dma_wait3A_107 = arith.constant 0 : i32
    %dma_wait3A_108 = tpu.memref_slice %arg8[%dma_wait3A_106, %dma_wait3A_107] : memref<160x128xi32, #tpu.memory_space<vmem>> -> memref<1x128xi32, #tpu.memory_space<vmem>>
    %dma_wait3A_109 = tpu.memref_squeeze %dma_wait3A_108 : memref<1x128xi32, #tpu.memory_space<vmem>> -> memref<128xi32, #tpu.memory_space<vmem>>
    %dma_wait3A_110 = arith.constant 0 : i32
    %dma_wait3A_111 = arith.constant 0 : i32
    %dma_wait3A_112 = tpu.memref_slice %arg13[%dma_wait3A_110, %dma_wait3A_111] : memref<10112x64xf32, #tpu.memory_space<vmem_shared>> -> memref<10112x64xf32, #tpu.memory_space<vmem_shared>>
    tpu.wait_indirect_dma semaphore(%arg19 : memref<!tpu.dma_semaphore, #tpu.memory_space<semaphore_mem>>) src(%arg10 : memref<128x64xf32, #tpu.memory_space<vmem>>) dst(%dma_wait3A_112 : memref<10112x64xf32, #tpu.memory_space<vmem_shared>>)
    %dma_start3A_113 = arith.constant 128 : i32
    %dma_start3A_114 = tpu.memref_slice %arg7[%dma_start3A_113] : memref<20480xi32, #tpu.memory_space<vmem>> -> memref<128xi32, #tpu.memory_space<vmem>>
    %dma_start3A_115 = arith.constant 0 : i32
    %dma_start3A_116 = arith.constant 0 : i32
    %dma_start3A_117 = tpu.memref_slice %arg2[%arg0, %dma_start3A_115, %dma_start3A_116] : memref<2x10000x64xf32, #tpu.memory_space<hbm>> -> memref<1x10000x64xf32, #tpu.memory_space<hbm>>
    %dma_start3A_118 = tpu.memref_squeeze %dma_start3A_117 : memref<1x10000x64xf32, #tpu.memory_space<hbm>> -> memref<10000x64xf32, #tpu.memory_space<hbm>>
    %dma_start3A_119 = arith.constant 0 : i32
    %dma_start3A_120 = arith.constant 0 : i32
    %dma_start3A_121 = tpu.memref_slice %dma_start3A_118[%dma_start3A_119, %dma_start3A_120] : memref<10000x64xf32, #tpu.memory_space<hbm>> -> memref<10000x64xf32, #tpu.memory_space<hbm>>
    tpu.enqueue_indirect_dma source(%dma_start3A_121 : memref<10000x64xf32, #tpu.memory_space<hbm>>) target(%arg10 : memref<128x64xf32, #tpu.memory_space<vmem>>) offsets(%dma_start3A_114 : memref<128xi32, #tpu.memory_space<vmem>>) semaphore(%arg15 : memref<!tpu.dma_semaphore, #tpu.memory_space<semaphore_mem>>)
    %dma_wait3A_122 = arith.constant 20352 : i32
    %dma_wait3A_123 = tpu.memref_slice %arg7[%dma_wait3A_122] : memref<20480xi32, #tpu.memory_space<vmem>> -> memref<128xi32, #tpu.memory_space<vmem>>
    %dma_wait3A_124 = arith.constant 0 : i32
    %dma_wait3A_125 = arith.constant 0 : i32
    %dma_wait3A_126 = tpu.memref_slice %arg2[%arg0, %dma_wait3A_124, %dma_wait3A_125] : memref<2x10000x64xf32, #tpu.memory_space<hbm>> -> memref<1x10000x64xf32, #tpu.memory_space<hbm>>
    %dma_wait3A_127 = tpu.memref_squeeze %dma_wait3A_126 : memref<1x10000x64xf32, #tpu.memory_space<hbm>> -> memref<10000x64xf32, #tpu.memory_space<hbm>>
    %dma_wait3A_128 = arith.constant 0 : i32
    %dma_wait3A_129 = arith.constant 0 : i32
    %dma_wait3A_130 = tpu.memref_slice %dma_wait3A_127[%dma_wait3A_128, %dma_wait3A_129] : memref<10000x64xf32, #tpu.memory_space<hbm>> -> memref<10000x64xf32, #tpu.memory_space<hbm>>
    tpu.wait_indirect_dma semaphore(%arg17 : memref<!tpu.dma_semaphore, #tpu.memory_space<semaphore_mem>>) src(%dma_wait3A_130 : memref<10000x64xf32, #tpu.memory_space<hbm>>) dst(%arg12 : memref<128x64xf32, #tpu.memory_space<vmem>>)
    %dma_start3A_131 = arith.constant 159 : i32
    %dma_start3A_132 = arith.constant 0 : i32
    %dma_start3A_133 = tpu.memref_slice %arg8[%dma_start3A_131, %dma_start3A_132] : memref<160x128xi32, #tpu.memory_space<vmem>> -> memref<1x128xi32, #tpu.memory_space<vmem>>
    %dma_start3A_134 = tpu.memref_squeeze %dma_start3A_133 : memref<1x128xi32, #tpu.memory_space<vmem>> -> memref<128xi32, #tpu.memory_space<vmem>>
    %dma_start3A_135 = arith.constant 0 : i32
    %dma_start3A_136 = arith.constant 0 : i32
    %dma_start3A_137 = tpu.memref_slice %arg13[%dma_start3A_135, %dma_start3A_136] : memref<10112x64xf32, #tpu.memory_space<vmem_shared>> -> memref<10112x64xf32, #tpu.memory_space<vmem_shared>>
    tpu.enqueue_indirect_dma source(%arg12 : memref<128x64xf32, #tpu.memory_space<vmem>>) target(%dma_start3A_137 : memref<10112x64xf32, #tpu.memory_space<vmem_shared>>) offsets(%dma_start3A_134 : memref<128xi32, #tpu.memory_space<vmem>>) semaphore(%arg21 : memref<!tpu.dma_semaphore, #tpu.memory_space<semaphore_mem>>) {add = true}
    %dma_wait3A_138 = arith.constant 158 : i32
    %dma_wait3A_139 = arith.constant 0 : i32
    %dma_wait3A_140 = tpu.memref_slice %arg8[%dma_wait3A_138, %dma_wait3A_139] : memref<160x128xi32, #tpu.memory_space<vmem>> -> memref<1x128xi32, #tpu.memory_space<vmem>>
    %dma_wait3A_141 = tpu.memref_squeeze %dma_wait3A_140 : memref<1x128xi32, #tpu.memory_space<vmem>> -> memref<128xi32, #tpu.memory_space<vmem>>
    %dma_wait3A_142 = arith.constant 0 : i32
    %dma_wait3A_143 = arith.constant 0 : i32
    %dma_wait3A_144 = tpu.memref_slice %arg13[%dma_wait3A_142, %dma_wait3A_143] : memref<10112x64xf32, #tpu.memory_space<vmem_shared>> -> memref<10112x64xf32, #tpu.memory_space<vmem_shared>>
    tpu.wait_indirect_dma semaphore(%arg20 : memref<!tpu.dma_semaphore, #tpu.memory_space<semaphore_mem>>) src(%arg11 : memref<128x64xf32, #tpu.memory_space<vmem>>) dst(%dma_wait3A_144 : memref<10112x64xf32, #tpu.memory_space<vmem_shared>>)
    %dma_start3A_145 = arith.constant 256 : i32
    %dma_start3A_146 = tpu.memref_slice %arg7[%dma_start3A_145] : memref<20480xi32, #tpu.memory_space<vmem>> -> memref<128xi32, #tpu.memory_space<vmem>>
    %dma_start3A_147 = arith.constant 0 : i32
    %dma_start3A_148 = arith.constant 0 : i32
    %dma_start3A_149 = tpu.memref_slice %arg2[%arg0, %dma_start3A_147, %dma_start3A_148] : memref<2x10000x64xf32, #tpu.memory_space<hbm>> -> memref<1x10000x64xf32, #tpu.memory_space<hbm>>
    %dma_start3A_150 = tpu.memref_squeeze %dma_start3A_149 : memref<1x10000x64xf32, #tpu.memory_space<hbm>> -> memref<10000x64xf32, #tpu.memory_space<hbm>>
    %dma_start3A_151 = arith.constant 0 : i32
    %dma_start3A_152 = arith.constant 0 : i32
    %dma_start3A_153 = tpu.memref_slice %dma_start3A_150[%dma_start3A_151, %dma_start3A_152] : memref<10000x64xf32, #tpu.memory_space<hbm>> -> memref<10000x64xf32, #tpu.memory_space<hbm>>
    tpu.enqueue_indirect_dma source(%dma_start3A_153 : memref<10000x64xf32, #tpu.memory_space<hbm>>) target(%arg11 : memref<128x64xf32, #tpu.memory_space<vmem>>) offsets(%dma_start3A_146 : memref<128xi32, #tpu.memory_space<vmem>>) semaphore(%arg16 : memref<!tpu.dma_semaphore, #tpu.memory_space<semaphore_mem>>)
    %dma_wait3A_154 = arith.constant 159 : i32
    %dma_wait3A_155 = arith.constant 0 : i32
    %dma_wait3A_156 = tpu.memref_slice %arg8[%dma_wait3A_154, %dma_wait3A_155] : memref<160x128xi32, #tpu.memory_space<vmem>> -> memref<1x128xi32, #tpu.memory_space<vmem>>
    %dma_wait3A_157 = tpu.memref_squeeze %dma_wait3A_156 : memref<1x128xi32, #tpu.memory_space<vmem>> -> memref<128xi32, #tpu.memory_space<vmem>>
    %dma_wait3A_158 = arith.constant 0 : i32
    %dma_wait3A_159 = arith.constant 0 : i32
    %dma_wait3A_160 = tpu.memref_slice %arg13[%dma_wait3A_158, %dma_wait3A_159] : memref<10112x64xf32, #tpu.memory_space<vmem_shared>> -> memref<10112x64xf32, #tpu.memory_space<vmem_shared>>
    tpu.wait_indirect_dma semaphore(%arg21 : memref<!tpu.dma_semaphore, #tpu.memory_space<semaphore_mem>>) src(%arg12 : memref<128x64xf32, #tpu.memory_space<vmem>>) dst(%dma_wait3A_160 : memref<10112x64xf32, #tpu.memory_space<vmem_shared>>)
    %dma_wait3A_161 = arith.constant 0 : i32
    %dma_wait3A_162 = tpu.memref_slice %arg7[%dma_wait3A_161] : memref<20480xi32, #tpu.memory_space<vmem>> -> memref<128xi32, #tpu.memory_space<vmem>>
    %dma_wait3A_163 = arith.constant 0 : i32
    %dma_wait3A_164 = arith.constant 0 : i32
    %dma_wait3A_165 = tpu.memref_slice %arg2[%arg0, %dma_wait3A_163, %dma_wait3A_164] : memref<2x10000x64xf32, #tpu.memory_space<hbm>> -> memref<1x10000x64xf32, #tpu.memory_space<hbm>>
    %dma_wait3A_166 = tpu.memref_squeeze %dma_wait3A_165 : memref<1x10000x64xf32, #tpu.memory_space<hbm>> -> memref<10000x64xf32, #tpu.memory_space<hbm>>
    %dma_wait3A_167 = arith.constant 0 : i32
    %dma_wait3A_168 = arith.constant 0 : i32
    %dma_wait3A_169 = tpu.memref_slice %dma_wait3A_166[%dma_wait3A_167, %dma_wait3A_168] : memref<10000x64xf32, #tpu.memory_space<hbm>> -> memref<10000x64xf32, #tpu.memory_space<hbm>>
    tpu.wait_indirect_dma semaphore(%arg14 : memref<!tpu.dma_semaphore, #tpu.memory_space<semaphore_mem>>) src(%dma_wait3A_169 : memref<10000x64xf32, #tpu.memory_space<hbm>>) dst(%arg9 : memref<128x64xf32, #tpu.memory_space<vmem>>)
    %dma_wait3A_170 = arith.constant 128 : i32
    %dma_wait3A_171 = tpu.memref_slice %arg7[%dma_wait3A_170] : memref<20480xi32, #tpu.memory_space<vmem>> -> memref<128xi32, #tpu.memory_space<vmem>>
    %dma_wait3A_172 = arith.constant 0 : i32
    %dma_wait3A_173 = arith.constant 0 : i32
    %dma_wait3A_174 = tpu.memref_slice %arg2[%arg0, %dma_wait3A_172, %dma_wait3A_173] : memref<2x10000x64xf32, #tpu.memory_space<hbm>> -> memref<1x10000x64xf32, #tpu.memory_space<hbm>>
    %dma_wait3A_175 = tpu.memref_squeeze %dma_wait3A_174 : memref<1x10000x64xf32, #tpu.memory_space<hbm>> -> memref<10000x64xf32, #tpu.memory_space<hbm>>
    %dma_wait3A_176 = arith.constant 0 : i32
    %dma_wait3A_177 = arith.constant 0 : i32
    %dma_wait3A_178 = tpu.memref_slice %dma_wait3A_175[%dma_wait3A_176, %dma_wait3A_177] : memref<10000x64xf32, #tpu.memory_space<hbm>> -> memref<10000x64xf32, #tpu.memory_space<hbm>>
    tpu.wait_indirect_dma semaphore(%arg15 : memref<!tpu.dma_semaphore, #tpu.memory_space<semaphore_mem>>) src(%dma_wait3A_178 : memref<10000x64xf32, #tpu.memory_space<hbm>>) dst(%arg10 : memref<128x64xf32, #tpu.memory_space<vmem>>)
    %dma_wait3A_179 = arith.constant 256 : i32
    %dma_wait3A_180 = tpu.memref_slice %arg7[%dma_wait3A_179] : memref<20480xi32, #tpu.memory_space<vmem>> -> memref<128xi32, #tpu.memory_space<vmem>>
    %dma_wait3A_181 = arith.constant 0 : i32
    %dma_wait3A_182 = arith.constant 0 : i32
    %dma_wait3A_183 = tpu.memref_slice %arg2[%arg0, %dma_wait3A_181, %dma_wait3A_182] : memref<2x10000x64xf32, #tpu.memory_space<hbm>> -> memref<1x10000x64xf32, #tpu.memory_space<hbm>>
    %dma_wait3A_184 = tpu.memref_squeeze %dma_wait3A_183 : memref<1x10000x64xf32, #tpu.memory_space<hbm>> -> memref<10000x64xf32, #tpu.memory_space<hbm>>
    %dma_wait3A_185 = arith.constant 0 : i32
    %dma_wait3A_186 = arith.constant 0 : i32
    %dma_wait3A_187 = tpu.memref_slice %dma_wait3A_184[%dma_wait3A_185, %dma_wait3A_186] : memref<10000x64xf32, #tpu.memory_space<hbm>> -> memref<10000x64xf32, #tpu.memory_space<hbm>>
    tpu.wait_indirect_dma semaphore(%arg16 : memref<!tpu.dma_semaphore, #tpu.memory_space<semaphore_mem>>) src(%dma_wait3A_187 : memref<10000x64xf32, #tpu.memory_space<hbm>>) dst(%arg11 : memref<128x64xf32, #tpu.memory_space<vmem>>)
    %barrier3A_188 = arith.constant 0 : index
    tpu.barrier barrier_id(%barrier3A_188)
    %mul3A_189 = arith.constant 632 : i32
    %mul3A_190 = arith.muli %arg1, %mul3A_189 : i32
    %mul3A_191 = arith.constant 632 : i32
    %mul3A_192 = arith.muli %arg1, %mul3A_191 : i32
    "tpu.region"() ({
      %run_scoped3A = tpu.sem_alloc : memref<!tpu.dma_semaphore, #tpu.memory_space<semaphore_mem>>
      %dma_start3A_193 = arith.constant 0 : i32
      %dma_start3A_194 = tpu.memref_slice %arg6[%arg0, %mul3A_192, %dma_start3A_193] : memref<2x10112x64xf32, #tpu.memory_space<hbm>> -> memref<1x632x64xf32, #tpu.memory_space<hbm>>
      %dma_start3A_195 = tpu.memref_squeeze %dma_start3A_194 : memref<1x632x64xf32, #tpu.memory_space<hbm>> -> memref<632x64xf32, #tpu.memory_space<hbm>>
      %dma_start3A_196 = arith.constant 0 : i32
      %dma_start3A_197 = tpu.memref_slice %arg13[%mul3A_190, %dma_start3A_196] : memref<10112x64xf32, #tpu.memory_space<vmem_shared>> -> memref<632x64xf32, #tpu.memory_space<vmem_shared>>
      tpu.enqueue_dma source(%dma_start3A_197 : memref<632x64xf32, #tpu.memory_space<vmem_shared>>) target(%dma_start3A_195 : memref<632x64xf32, #tpu.memory_space<hbm>>) target_semaphore(%run_scoped3A : memref<!tpu.dma_semaphore, #tpu.memory_space<semaphore_mem>>)
      %dma_wait3A_198 = arith.constant 0 : i32
      %dma_wait3A_199 = tpu.memref_slice %arg6[%arg0, %mul3A_192, %dma_wait3A_198] : memref<2x10112x64xf32, #tpu.memory_space<hbm>> -> memref<1x632x64xf32, #tpu.memory_space<hbm>>
      %dma_wait3A_200 = tpu.memref_squeeze %dma_wait3A_199 : memref<1x632x64xf32, #tpu.memory_space<hbm>> -> memref<632x64xf32, #tpu.memory_space<hbm>>
      %dma_wait3A_201 = arith.constant 0 : i32
      %dma_wait3A_202 = tpu.memref_slice %arg13[%mul3A_190, %dma_wait3A_201] : memref<10112x64xf32, #tpu.memory_space<vmem_shared>> -> memref<632x64xf32, #tpu.memory_space<vmem_shared>>
      tpu.wait_dma2 semaphore(%run_scoped3A : memref<!tpu.dma_semaphore, #tpu.memory_space<semaphore_mem>>) src(%dma_wait3A_202 : memref<632x64xf32, #tpu.memory_space<vmem_shared>>) dst(%dma_wait3A_200 : memref<632x64xf32, #tpu.memory_space<hbm>>)
      tpu.yield
    }) : () -> ()
    return
  }
}

module attributes {stable_mosaic.version = 14 : i64} {
  func.func @_proj_body(%arg0: memref<10000x128xf32, #tpu.memory_space<vmem>>, %arg1: memref<128x128xf32, #tpu.memory_space<vmem>>, %arg2: memref<1x128xf32, #tpu.memory_space<vmem>>, %arg3: memref<2x10000x64xf32, #tpu.memory_space<vmem>>) attributes {dimension_semantics = [], scalar_prefetch = 0 : i64, scratch_operands = 0 : i64, tpu.core_type = #tpu.core_type<tc>} {
    %get3A = arith.constant 0 : index
    %get3A_0 = arith.constant 0 : index
    %get3A_1 = vector.load %arg0[%get3A, %get3A_0] : memref<10000x128xf32, #tpu.memory_space<vmem>>, vector<10000x128xf32>
    %get3A_2 = arith.constant 0 : index
    %get3A_3 = arith.constant 0 : index
    %get3A_4 = vector.load %arg1[%get3A_2, %get3A_3] : memref<128x128xf32, #tpu.memory_space<vmem>>, vector<128x128xf32>
    %dot_general3A = arith.constant dense<0.000000e+00> : vector<10000x128xf32>
    %dot_general3A_5 = tpu.matmul %get3A_1, %get3A_4, %dot_general3A {dimension_numbers = #tpu.dot_dimension_numbers<[1], [0], [0], [1], [0, 0, 1, 1], [], []>, transpose_lhs_hint = false} : vector<10000x128xf32>, vector<128x128xf32>, vector<10000x128xf32> -> vector<10000x128xf32>
    %get3A_6 = arith.constant 0 : index
    %get3A_7 = arith.constant 0 : index
    %get3A_8 = vector.load %arg2[%get3A_6, %get3A_7] : memref<1x128xf32, #tpu.memory_space<vmem>>, vector<1x128xf32>
    %add3A = vector.broadcast %get3A_8 : vector<1x128xf32> to vector<10000x128xf32>
    %add3A_9 = arith.addf %dot_general3A_5, %add3A : vector<10000x128xf32>
    %slice3A = vector.extract_strided_slice %add3A_9 {offsets = [0, 0], sizes = [10000, 64], strides = [1, 1]} : vector<10000x128xf32> to vector<10000x64xf32>
    %swap3A = arith.constant 0 : index
    %swap3A_10 = arith.constant 0 : index
    %swap3A_11 = arith.constant 0 : index
    %swap3A_12 = vector.load %arg3[%swap3A, %swap3A_10, %swap3A_11] : memref<2x10000x64xf32, #tpu.memory_space<vmem>>, vector<1x10000x64xf32>
    %swap3A_13 = vector.shape_cast %swap3A_12 : vector<1x10000x64xf32> to vector<10000x64xf32>
    %swap3A_14 = vector.shape_cast %slice3A : vector<10000x64xf32> to vector<1x10000x64xf32>
    tpu.vector_store %arg3[%swap3A, %swap3A_10, %swap3A_11], %swap3A_14 {strides = array<i32>} : memref<2x10000x64xf32, #tpu.memory_space<vmem>>, vector<1x10000x64xf32>,
    %slice3A_15 = vector.extract_strided_slice %add3A_9 {offsets = [0, 64], sizes = [10000, 64], strides = [1, 1]} : vector<10000x128xf32> to vector<10000x64xf32>
    %swap3A_16 = arith.constant 1 : index
    %swap3A_17 = arith.constant 0 : index
    %swap3A_18 = arith.constant 0 : index
    %swap3A_19 = vector.load %arg3[%swap3A_16, %swap3A_17, %swap3A_18] : memref<2x10000x64xf32, #tpu.memory_space<vmem>>, vector<1x10000x64xf32>
    %swap3A_20 = vector.shape_cast %swap3A_19 : vector<1x10000x64xf32> to vector<10000x64xf32>
    %swap3A_21 = vector.shape_cast %slice3A_15 : vector<10000x64xf32> to vector<1x10000x64xf32>
    tpu.vector_store %arg3[%swap3A_16, %swap3A_17, %swap3A_18], %swap3A_21 {strides = array<i32>} : memref<2x10000x64xf32, #tpu.memory_space<vmem>>, vector<1x10000x64xf32>,
    return
  }
}

module attributes {stable_mosaic.version = 14 : i64} {
  func.func @_gin_mlp_body(%arg0: memref<2x10000x64xf32, #tpu.memory_space<vmem>>, %arg1: memref<2x10112x64xf32, #tpu.memory_space<vmem>>, %arg2: memref<128x128xf32, #tpu.memory_space<vmem>>, %arg3: memref<1x128xf32, #tpu.memory_space<vmem>>, %arg4: memref<1x128xf32, #tpu.memory_space<vmem>>, %arg5: memref<1x128xf32, #tpu.memory_space<vmem>>, %arg6: memref<128x128xf32, #tpu.memory_space<vmem>>, %arg7: memref<1x128xf32, #tpu.memory_space<vmem>>, %arg8: memref<2x10000x64xf32, #tpu.memory_space<vmem>>) attributes {dimension_semantics = [], scalar_prefetch = 0 : i64, scratch_operands = 0 : i64, tpu.core_type = #tpu.core_type<tc>} {
    %get3A = arith.constant 0 : index
    %get3A_0 = arith.constant 0 : index
    %get3A_1 = arith.constant 0 : index
    %get3A_2 = vector.load %arg0[%get3A, %get3A_0, %get3A_1] : memref<2x10000x64xf32, #tpu.memory_space<vmem>>, vector<1x10000x64xf32>
    %get3A_3 = vector.shape_cast %get3A_2 : vector<1x10000x64xf32> to vector<10000x64xf32>
    %get3A_4 = arith.constant 1 : index
    %get3A_5 = arith.constant 0 : index
    %get3A_6 = arith.constant 0 : index
    %get3A_7 = vector.load %arg0[%get3A_4, %get3A_5, %get3A_6] : memref<2x10000x64xf32, #tpu.memory_space<vmem>>, vector<1x10000x64xf32>
    %get3A_8 = vector.shape_cast %get3A_7 : vector<1x10000x64xf32> to vector<10000x64xf32>
    %concatenate3A = tpu.concatenate %get3A_3, %get3A_8 in 1 : vector<10000x64xf32>, vector<10000x64xf32> -> vector<10000x128xf32>
    %get3A_9 = arith.constant 0 : index
    %get3A_10 = arith.constant 0 : index
    %get3A_11 = arith.constant 0 : index
    %get3A_12 = vector.load %arg1[%get3A_9, %get3A_10, %get3A_11] : memref<2x10112x64xf32, #tpu.memory_space<vmem>>, vector<1x10000x64xf32>
    %get3A_13 = vector.shape_cast %get3A_12 : vector<1x10000x64xf32> to vector<10000x64xf32>
    %get3A_14 = arith.constant 1 : index
    %get3A_15 = arith.constant 0 : index
    %get3A_16 = arith.constant 0 : index
    %get3A_17 = vector.load %arg1[%get3A_14, %get3A_15, %get3A_16] : memref<2x10112x64xf32, #tpu.memory_space<vmem>>, vector<1x10000x64xf32>
    %get3A_18 = vector.shape_cast %get3A_17 : vector<1x10000x64xf32> to vector<10000x64xf32>
    %concatenate3A_19 = tpu.concatenate %get3A_13, %get3A_18 in 1 : vector<10000x64xf32>, vector<10000x64xf32> -> vector<10000x128xf32>
    %add3A = arith.addf %concatenate3A, %concatenate3A_19 : vector<10000x128xf32>
    %get3A_20 = arith.constant 0 : index
    %get3A_21 = arith.constant 0 : index
    %get3A_22 = vector.load %arg2[%get3A_20, %get3A_21] : memref<128x128xf32, #tpu.memory_space<vmem>>, vector<128x128xf32>
    %dot_general3A = arith.constant dense<0.000000e+00> : vector<10000x128xf32>
    %dot_general3A_23 = tpu.matmul %add3A, %get3A_22, %dot_general3A {dimension_numbers = #tpu.dot_dimension_numbers<[1], [0], [0], [1], [0, 0, 1, 1], [], []>, transpose_lhs_hint = false} : vector<10000x128xf32>, vector<128x128xf32>, vector<10000x128xf32> -> vector<10000x128xf32>
    %get3A_24 = arith.constant 0 : index
    %get3A_25 = arith.constant 0 : index
    %get3A_26 = vector.load %arg3[%get3A_24, %get3A_25] : memref<1x128xf32, #tpu.memory_space<vmem>>, vector<1x128xf32>
    %add3A_27 = vector.broadcast %get3A_26 : vector<1x128xf32> to vector<10000x128xf32>
    %add3A_28 = arith.addf %dot_general3A_23, %add3A_27 : vector<10000x128xf32>
    %reduce_sum3A = arith.constant dense<0.000000e+00> : vector<128xf32>
    %reduce_sum3A_29 = vector.multi_reduction <add>, %add3A_28, %reduce_sum3A [0] : vector<10000x128xf32> to vector<128xf32>
    %broadcast_in_dim3A = vector.shape_cast %reduce_sum3A_29 : vector<128xf32> to vector<1x128xf32>
    %div3A = arith.constant 1.000000e+04 : f32
    %div3A_30 = vector.broadcast %div3A : f32 to vector<1x128xf32>
    %div3A_31 = arith.divf %broadcast_in_dim3A, %div3A_30 : vector<1x128xf32>
    %sub3A = vector.broadcast %div3A_31 : vector<1x128xf32> to vector<10000x128xf32>
    %sub3A_32 = arith.subf %add3A_28, %sub3A : vector<10000x128xf32>
    %mul3A = arith.mulf %sub3A_32, %sub3A_32 : vector<10000x128xf32>
    %reduce_sum3A_33 = arith.constant dense<0.000000e+00> : vector<128xf32>
    %reduce_sum3A_34 = vector.multi_reduction <add>, %mul3A, %reduce_sum3A_33 [0] : vector<10000x128xf32> to vector<128xf32>
    %broadcast_in_dim3A_35 = vector.shape_cast %reduce_sum3A_34 : vector<128xf32> to vector<1x128xf32>
    %div3A_36 = arith.constant 1.000000e+04 : f32
    %div3A_37 = vector.broadcast %div3A_36 : f32 to vector<1x128xf32>
    %div3A_38 = arith.divf %broadcast_in_dim3A_35, %div3A_37 : vector<1x128xf32>
    %add3A_39 = arith.constant 9.99999974E-6 : f32
    %add3A_40 = vector.broadcast %add3A_39 : f32 to vector<1x128xf32>
    %add3A_41 = arith.addf %div3A_38, %add3A_40 : vector<1x128xf32>
    %rsqrt3A = math.rsqrt %add3A_41 : vector<1x128xf32>
    %mul3A_42 = vector.broadcast %rsqrt3A : vector<1x128xf32> to vector<10000x128xf32>
    %mul3A_43 = arith.mulf %sub3A_32, %mul3A_42 : vector<10000x128xf32>
    %get3A_44 = arith.constant 0 : index
    %get3A_45 = arith.constant 0 : index
    %get3A_46 = vector.load %arg4[%get3A_44, %get3A_45] : memref<1x128xf32, #tpu.memory_space<vmem>>, vector<1x128xf32>
    %mul3A_47 = vector.broadcast %get3A_46 : vector<1x128xf32> to vector<10000x128xf32>
    %mul3A_48 = arith.mulf %mul3A_43, %mul3A_47 : vector<10000x128xf32>
    %get3A_49 = arith.constant 0 : index
    %get3A_50 = arith.constant 0 : index
    %get3A_51 = vector.load %arg5[%get3A_49, %get3A_50] : memref<1x128xf32, #tpu.memory_space<vmem>>, vector<1x128xf32>
    %add3A_52 = vector.broadcast %get3A_51 : vector<1x128xf32> to vector<10000x128xf32>
    %add3A_53 = arith.addf %mul3A_48, %add3A_52 : vector<10000x128xf32>
    %max3A = arith.constant 0.000000e+00 : f32
    %max3A_54 = vector.broadcast %max3A : f32 to vector<10000x128xf32>
    %max3A_55 = arith.maximumf %add3A_53, %max3A_54 : vector<10000x128xf32>
    %get3A_56 = arith.constant 0 : index
    %get3A_57 = arith.constant 0 : index
    %get3A_58 = vector.load %arg6[%get3A_56, %get3A_57] : memref<128x128xf32, #tpu.memory_space<vmem>>, vector<128x128xf32>
    %dot_general3A_59 = arith.constant dense<0.000000e+00> : vector<10000x128xf32>
    %dot_general3A_60 = tpu.matmul %max3A_55, %get3A_58, %dot_general3A_59 {dimension_numbers = #tpu.dot_dimension_numbers<[1], [0], [0], [1], [0, 0, 1, 1], [], []>, transpose_lhs_hint = false} : vector<10000x128xf32>, vector<128x128xf32>, vector<10000x128xf32> -> vector<10000x128xf32>
    %get3A_61 = arith.constant 0 : index
    %get3A_62 = arith.constant 0 : index
    %get3A_63 = vector.load %arg7[%get3A_61, %get3A_62] : memref<1x128xf32, #tpu.memory_space<vmem>>, vector<1x128xf32>
    %add3A_64 = vector.broadcast %get3A_63 : vector<1x128xf32> to vector<10000x128xf32>
    %add3A_65 = arith.addf %dot_general3A_60, %add3A_64 : vector<10000x128xf32>
    %reduce_sum3A_66 = arith.constant dense<0.000000e+00> : vector<128xf32>
    %reduce_sum3A_67 = vector.multi_reduction <add>, %add3A_65, %reduce_sum3A_66 [0] : vector<10000x128xf32> to vector<128xf32>
    %broadcast_in_dim3A_68 = vector.shape_cast %reduce_sum3A_67 : vector<128xf32> to vector<1x128xf32>
    %div3A_69 = arith.constant 1.000000e+04 : f32
    %div3A_70 = vector.broadcast %div3A_69 : f32 to vector<1x128xf32>
    %div3A_71 = arith.divf %broadcast_in_dim3A_68, %div3A_70 : vector<1x128xf32>
    %mul3A_72 = arith.mulf %add3A_65, %add3A_65 : vector<10000x128xf32>
    %reduce_sum3A_73 = arith.constant dense<0.000000e+00> : vector<10000xf32>
    %reduce_sum3A_74 = vector.multi_reduction <add>, %mul3A_72, %reduce_sum3A_73 [1] : vector<10000x128xf32> to vector<10000xf32>
    %broadcast_in_dim3A_75 = vector.shape_cast %reduce_sum3A_74 : vector<10000xf32> to vector<10000x1xf32>
    %add3A_76 = arith.constant 9.99999997E-7 : f32
    %add3A_77 = vector.broadcast %add3A_76 : f32 to vector<10000x1xf32>
    %add3A_78 = arith.addf %add3A_77, %broadcast_in_dim3A_75 : vector<10000x1xf32>
    %sqrt3A = math.sqrt %add3A_78 : vector<10000x1xf32>
    %mul3A_79 = arith.constant 2.000000e+01 : f32
    %mul3A_80 = vector.broadcast %mul3A_79 : f32 to vector<10000x128xf32>
    %mul3A_81 = arith.mulf %mul3A_80, %add3A_65 : vector<10000x128xf32>
    %div3A_82 = vector.broadcast %sqrt3A : vector<10000x1xf32> to vector<10000x128xf32>
    %div3A_83 = arith.divf %mul3A_81, %div3A_82 : vector<10000x128xf32>
    %sub3A_84 = vector.broadcast %div3A_71 : vector<1x128xf32> to vector<10000x128xf32>
    %sub3A_85 = arith.subf %div3A_83, %sub3A_84 : vector<10000x128xf32>
    %max3A_86 = arith.constant 0.000000e+00 : f32
    %max3A_87 = vector.broadcast %max3A_86 : f32 to vector<10000x128xf32>
    %max3A_88 = arith.maximumf %sub3A_85, %max3A_87 : vector<10000x128xf32>
    %slice3A = vector.extract_strided_slice %max3A_88 {offsets = [0, 0], sizes = [10000, 64], strides = [1, 1]} : vector<10000x128xf32> to vector<10000x64xf32>
    %swap3A = arith.constant 0 : index
    %swap3A_89 = arith.constant 0 : index
    %swap3A_90 = arith.constant 0 : index
    %swap3A_91 = vector.load %arg8[%swap3A, %swap3A_89, %swap3A_90] : memref<2x10000x64xf32, #tpu.memory_space<vmem>>, vector<1x10000x64xf32>
    %swap3A_92 = vector.shape_cast %swap3A_91 : vector<1x10000x64xf32> to vector<10000x64xf32>
    %swap3A_93 = vector.shape_cast %slice3A : vector<10000x64xf32> to vector<1x10000x64xf32>
    tpu.vector_store %arg8[%swap3A, %swap3A_89, %swap3A_90], %swap3A_93 {strides = array<i32>} : memref<2x10000x64xf32, #tpu.memory_space<vmem>>, vector<1x10000x64xf32>,
    %slice3A_94 = vector.extract_strided_slice %max3A_88 {offsets = [0, 64], sizes = [10000, 64], strides = [1, 1]} : vector<10000x128xf32> to vector<10000x64xf32>
    %swap3A_95 = arith.constant 1 : index
    %swap3A_96 = arith.constant 0 : index
    %swap3A_97 = arith.constant 0 : index
    %swap3A_98 = vector.load %arg8[%swap3A_95, %swap3A_96, %swap3A_97] : memref<2x10000x64xf32, #tpu.memory_space<vmem>>, vector<1x10000x64xf32>
    %swap3A_99 = vector.shape_cast %swap3A_98 : vector<1x10000x64xf32> to vector<10000x64xf32>
    %swap3A_100 = vector.shape_cast %slice3A_94 : vector<10000x64xf32> to vector<1x10000x64xf32>
    tpu.vector_store %arg8[%swap3A_95, %swap3A_96, %swap3A_97], %swap3A_100 {strides = array<i32>} : memref<2x10000x64xf32, #tpu.memory_space<vmem>>, vector<1x10000x64xf32>,
    return
  }
}

module attributes {stable_mosaic.version = 14 : i64} {
  func.func @_gin_mlp_body(%arg0: memref<2x10000x64xf32, #tpu.memory_space<vmem>>, %arg1: memref<2x10112x64xf32, #tpu.memory_space<vmem>>, %arg2: memref<128x128xf32, #tpu.memory_space<vmem>>, %arg3: memref<1x128xf32, #tpu.memory_space<vmem>>, %arg4: memref<1x128xf32, #tpu.memory_space<vmem>>, %arg5: memref<1x128xf32, #tpu.memory_space<vmem>>, %arg6: memref<128x128xf32, #tpu.memory_space<vmem>>, %arg7: memref<1x128xf32, #tpu.memory_space<vmem>>, %arg8: memref<10000x128xf32, #tpu.memory_space<vmem>>) attributes {dimension_semantics = [], scalar_prefetch = 0 : i64, scratch_operands = 0 : i64, tpu.core_type = #tpu.core_type<tc>} {
    %get3A = arith.constant 0 : index
    %get3A_0 = arith.constant 0 : index
    %get3A_1 = arith.constant 0 : index
    %get3A_2 = vector.load %arg0[%get3A, %get3A_0, %get3A_1] : memref<2x10000x64xf32, #tpu.memory_space<vmem>>, vector<1x10000x64xf32>
    %get3A_3 = vector.shape_cast %get3A_2 : vector<1x10000x64xf32> to vector<10000x64xf32>
    %get3A_4 = arith.constant 1 : index
    %get3A_5 = arith.constant 0 : index
    %get3A_6 = arith.constant 0 : index
    %get3A_7 = vector.load %arg0[%get3A_4, %get3A_5, %get3A_6] : memref<2x10000x64xf32, #tpu.memory_space<vmem>>, vector<1x10000x64xf32>
    %get3A_8 = vector.shape_cast %get3A_7 : vector<1x10000x64xf32> to vector<10000x64xf32>
    %concatenate3A = tpu.concatenate %get3A_3, %get3A_8 in 1 : vector<10000x64xf32>, vector<10000x64xf32> -> vector<10000x128xf32>
    %get3A_9 = arith.constant 0 : index
    %get3A_10 = arith.constant 0 : index
    %get3A_11 = arith.constant 0 : index
    %get3A_12 = vector.load %arg1[%get3A_9, %get3A_10, %get3A_11] : memref<2x10112x64xf32, #tpu.memory_space<vmem>>, vector<1x10000x64xf32>
    %get3A_13 = vector.shape_cast %get3A_12 : vector<1x10000x64xf32> to vector<10000x64xf32>
    %get3A_14 = arith.constant 1 : index
    %get3A_15 = arith.constant 0 : index
    %get3A_16 = arith.constant 0 : index
    %get3A_17 = vector.load %arg1[%get3A_14, %get3A_15, %get3A_16] : memref<2x10112x64xf32, #tpu.memory_space<vmem>>, vector<1x10000x64xf32>
    %get3A_18 = vector.shape_cast %get3A_17 : vector<1x10000x64xf32> to vector<10000x64xf32>
    %concatenate3A_19 = tpu.concatenate %get3A_13, %get3A_18 in 1 : vector<10000x64xf32>, vector<10000x64xf32> -> vector<10000x128xf32>
    %add3A = arith.addf %concatenate3A, %concatenate3A_19 : vector<10000x128xf32>
    %get3A_20 = arith.constant 0 : index
    %get3A_21 = arith.constant 0 : index
    %get3A_22 = vector.load %arg2[%get3A_20, %get3A_21] : memref<128x128xf32, #tpu.memory_space<vmem>>, vector<128x128xf32>
    %dot_general3A = arith.constant dense<0.000000e+00> : vector<10000x128xf32>
    %dot_general3A_23 = tpu.matmul %add3A, %get3A_22, %dot_general3A {dimension_numbers = #tpu.dot_dimension_numbers<[1], [0], [0], [1], [0, 0, 1, 1], [], []>, transpose_lhs_hint = false} : vector<10000x128xf32>, vector<128x128xf32>, vector<10000x128xf32> -> vector<10000x128xf32>
    %get3A_24 = arith.constant 0 : index
    %get3A_25 = arith.constant 0 : index
    %get3A_26 = vector.load %arg3[%get3A_24, %get3A_25] : memref<1x128xf32, #tpu.memory_space<vmem>>, vector<1x128xf32>
    %add3A_27 = vector.broadcast %get3A_26 : vector<1x128xf32> to vector<10000x128xf32>
    %add3A_28 = arith.addf %dot_general3A_23, %add3A_27 : vector<10000x128xf32>
    %reduce_sum3A = arith.constant dense<0.000000e+00> : vector<128xf32>
    %reduce_sum3A_29 = vector.multi_reduction <add>, %add3A_28, %reduce_sum3A [0] : vector<10000x128xf32> to vector<128xf32>
    %broadcast_in_dim3A = vector.shape_cast %reduce_sum3A_29 : vector<128xf32> to vector<1x128xf32>
    %div3A = arith.constant 1.000000e+04 : f32
    %div3A_30 = vector.broadcast %div3A : f32 to vector<1x128xf32>
    %div3A_31 = arith.divf %broadcast_in_dim3A, %div3A_30 : vector<1x128xf32>
    %sub3A = vector.broadcast %div3A_31 : vector<1x128xf32> to vector<10000x128xf32>
    %sub3A_32 = arith.subf %add3A_28, %sub3A : vector<10000x128xf32>
    %mul3A = arith.mulf %sub3A_32, %sub3A_32 : vector<10000x128xf32>
    %reduce_sum3A_33 = arith.constant dense<0.000000e+00> : vector<128xf32>
    %reduce_sum3A_34 = vector.multi_reduction <add>, %mul3A, %reduce_sum3A_33 [0] : vector<10000x128xf32> to vector<128xf32>
    %broadcast_in_dim3A_35 = vector.shape_cast %reduce_sum3A_34 : vector<128xf32> to vector<1x128xf32>
    %div3A_36 = arith.constant 1.000000e+04 : f32
    %div3A_37 = vector.broadcast %div3A_36 : f32 to vector<1x128xf32>
    %div3A_38 = arith.divf %broadcast_in_dim3A_35, %div3A_37 : vector<1x128xf32>
    %add3A_39 = arith.constant 9.99999974E-6 : f32
    %add3A_40 = vector.broadcast %add3A_39 : f32 to vector<1x128xf32>
    %add3A_41 = arith.addf %div3A_38, %add3A_40 : vector<1x128xf32>
    %rsqrt3A = math.rsqrt %add3A_41 : vector<1x128xf32>
    %mul3A_42 = vector.broadcast %rsqrt3A : vector<1x128xf32> to vector<10000x128xf32>
    %mul3A_43 = arith.mulf %sub3A_32, %mul3A_42 : vector<10000x128xf32>
    %get3A_44 = arith.constant 0 : index
    %get3A_45 = arith.constant 0 : index
    %get3A_46 = vector.load %arg4[%get3A_44, %get3A_45] : memref<1x128xf32, #tpu.memory_space<vmem>>, vector<1x128xf32>
    %mul3A_47 = vector.broadcast %get3A_46 : vector<1x128xf32> to vector<10000x128xf32>
    %mul3A_48 = arith.mulf %mul3A_43, %mul3A_47 : vector<10000x128xf32>
    %get3A_49 = arith.constant 0 : index
    %get3A_50 = arith.constant 0 : index
    %get3A_51 = vector.load %arg5[%get3A_49, %get3A_50] : memref<1x128xf32, #tpu.memory_space<vmem>>, vector<1x128xf32>
    %add3A_52 = vector.broadcast %get3A_51 : vector<1x128xf32> to vector<10000x128xf32>
    %add3A_53 = arith.addf %mul3A_48, %add3A_52 : vector<10000x128xf32>
    %max3A = arith.constant 0.000000e+00 : f32
    %max3A_54 = vector.broadcast %max3A : f32 to vector<10000x128xf32>
    %max3A_55 = arith.maximumf %add3A_53, %max3A_54 : vector<10000x128xf32>
    %get3A_56 = arith.constant 0 : index
    %get3A_57 = arith.constant 0 : index
    %get3A_58 = vector.load %arg6[%get3A_56, %get3A_57] : memref<128x128xf32, #tpu.memory_space<vmem>>, vector<128x128xf32>
    %dot_general3A_59 = arith.constant dense<0.000000e+00> : vector<10000x128xf32>
    %dot_general3A_60 = tpu.matmul %max3A_55, %get3A_58, %dot_general3A_59 {dimension_numbers = #tpu.dot_dimension_numbers<[1], [0], [0], [1], [0, 0, 1, 1], [], []>, transpose_lhs_hint = false} : vector<10000x128xf32>, vector<128x128xf32>, vector<10000x128xf32> -> vector<10000x128xf32>
    %get3A_61 = arith.constant 0 : index
    %get3A_62 = arith.constant 0 : index
    %get3A_63 = vector.load %arg7[%get3A_61, %get3A_62] : memref<1x128xf32, #tpu.memory_space<vmem>>, vector<1x128xf32>
    %add3A_64 = vector.broadcast %get3A_63 : vector<1x128xf32> to vector<10000x128xf32>
    %add3A_65 = arith.addf %dot_general3A_60, %add3A_64 : vector<10000x128xf32>
    %reduce_sum3A_66 = arith.constant dense<0.000000e+00> : vector<128xf32>
    %reduce_sum3A_67 = vector.multi_reduction <add>, %add3A_65, %reduce_sum3A_66 [0] : vector<10000x128xf32> to vector<128xf32>
    %broadcast_in_dim3A_68 = vector.shape_cast %reduce_sum3A_67 : vector<128xf32> to vector<1x128xf32>
    %div3A_69 = arith.constant 1.000000e+04 : f32
    %div3A_70 = vector.broadcast %div3A_69 : f32 to vector<1x128xf32>
    %div3A_71 = arith.divf %broadcast_in_dim3A_68, %div3A_70 : vector<1x128xf32>
    %mul3A_72 = arith.mulf %add3A_65, %add3A_65 : vector<10000x128xf32>
    %reduce_sum3A_73 = arith.constant dense<0.000000e+00> : vector<10000xf32>
    %reduce_sum3A_74 = vector.multi_reduction <add>, %mul3A_72, %reduce_sum3A_73 [1] : vector<10000x128xf32> to vector<10000xf32>
    %broadcast_in_dim3A_75 = vector.shape_cast %reduce_sum3A_74 : vector<10000xf32> to vector<10000x1xf32>
    %add3A_76 = arith.constant 9.99999997E-7 : f32
    %add3A_77 = vector.broadcast %add3A_76 : f32 to vector<10000x1xf32>
    %add3A_78 = arith.addf %add3A_77, %broadcast_in_dim3A_75 : vector<10000x1xf32>
    %sqrt3A = math.sqrt %add3A_78 : vector<10000x1xf32>
    %mul3A_79 = arith.constant 2.000000e+01 : f32
    %mul3A_80 = vector.broadcast %mul3A_79 : f32 to vector<10000x128xf32>
    %mul3A_81 = arith.mulf %mul3A_80, %add3A_65 : vector<10000x128xf32>
    %div3A_82 = vector.broadcast %sqrt3A : vector<10000x1xf32> to vector<10000x128xf32>
    %div3A_83 = arith.divf %mul3A_81, %div3A_82 : vector<10000x128xf32>
    %sub3A_84 = vector.broadcast %div3A_71 : vector<1x128xf32> to vector<10000x128xf32>
    %sub3A_85 = arith.subf %div3A_83, %sub3A_84 : vector<10000x128xf32>
    %swap3A = arith.constant 0 : index
    %swap3A_86 = arith.constant 0 : index
    %swap3A_87 = vector.load %arg8[%swap3A, %swap3A_86] : memref<10000x128xf32, #tpu.memory_space<vmem>>, vector<10000x128xf32>
    tpu.vector_store %arg8[%swap3A, %swap3A_86], %sub3A_85 {strides = array<i32>} : memref<10000x128xf32, #tpu.memory_space<vmem>>, vector<10000x128xf32>,
    return
  }
}

</mosaic_0001>

<sc_bundles>
// kernel: kernel.10.cloned.1.call-start
scs
__scs_entry_jumppad:
0x0: {  	(pc) =	sbr.rel $0x88, $3  }
0x1: {  	(tag) =	ssettag $0x0;
	lr =	simm.s32 $0x1  }
0x2: {  	[smem:$0x3F91] =	sst lr;
	_ =	strace $0xD0000000  }
0x3: {  	_ = 	snop  }
0x4: {  	_ = 	snop  }
0x5: {  	_ = 	snop  }
0x6: {  	_ = 	snop  }
0x7: {  	_ = 	snop  }
__scs_overlays_trampoline_lowered:
0x8: {  	[smem:$0x3FA0] =	sst s0  }
0x9: {  	[smem:$0x3FA1] =	sst s1  }
0xa: {  	[smem:$0x3FA2] =	sst s2  }
0xb: {  	[smem:$0x3FA3] =	sst s3  }
0xc: {  	[smem:$0x3FA4] =	sst s4  }
0xd: {  	[smem:$0x3FA5] =	sst s5  }
0xe: {  	[smem:$0x3FA6] =	sst s6  }
0xf: {  	[smem:$0x3FA7] =	sst s7  }
0x10: {  	[smem:$0x3FA8] =	sst s8  }
0x11: {  	[smem:$0x3FA9] =	sst s9;
	s0 =	simm.s32 @!p0 $0x0  }
0x12: {  	s1 =	sld [smem:$0x3F8F];
	s0 =	simm.s32 @p0 $0x1  }
0x13: {  	[smem:$0x3FAA] =	sst s0;
	s0 =	simm.s32 @!p1 $0x0  }
0x14: {  	s2 =	sld [smem:$0x3F8E];
	s0 =	simm.s32 @p1 $0x1  }
0x15: {  	[smem:$0x3FAB] =	sst s0;
	s0 =	simm.s32 @!p2 $0x0  }
0x16: {  	s3 =	sld [smem:$0x3FDB];
	s0 =	simm.s32 @p2 $0x1  }
0x17: {  	s4 =	simm.s32 $0x1BF5;
	[smem:$0x3FAD] =	sst s0  }
0x18: {  	s0 =	sld [smem:$0x3F90];
	_ =	swait.ge [sflag:s4], $0x0  }
0x19: {  	s7 =	sld [smem:$0x3F91]  }
0x1a: {  	s8 =	sadd.s32 $0xFFFFE003, lr  }
0x1b: {  	s9 =	sadd.s32 $0xFFFFFEF7, lr;
	s5 =	simm.s32 $0xFFFFFFFF;
	p2 =	slt.u32 s8, $0xFFFFF086  }
0x1c: {  	p1 =	slt.u32 s9, $0xF7A;
	s5 =	simm.s32 @!p2 $0x0  }
0x1d: {  	s5 =	simm.s32 @p1 $0x1;
	p0 =	seq.s32 s7, s2  }
0x1e: {  	s7 =	smul.u32 @!p0 $0xF7A, s2;
	p2 =	seq.s32 @!p0 s5, $0x0  }
0x1f: {  	s9 =	smul.u32 $0xF7A, s1;
	s8 =	simm.s32 @!p0 $0x1BF5;
	p2 =	por !p2, p0  }
0x20: {  	[sflag:s8] =	ssyncset.s32 @!p0 $0xFFFFF086;
	s6 =	sadd.s32 @!p0 s3, s7;
	s7 =	simm.s32 @!p0 $0x108  }
0x21: {  	s3 =	sadd.s32 s3, s9;
	s6 =	sadd.s32 @!p0 $0x88, s6;
	s7 =	simm.s32 @p2 $0x1082  }
0x22: {  	[simem:s7], [sflag:s8] =	dma.local @!p0 [hbm:s6], $0xF7A  }
0x23: {  	s9 =	sor.u32 $0xD0000000, s2;
	s6 =	simm.s32 $0x108;
	_ =	swait.ge @!p0 [sflag:s8], $0x0  }
0x24: {  	s3 =	sadd.s32 $0x88, s3;
	s6 =	simm.s32 @!p1 $0x1082;
	[sflag:s4] =	ssyncset.s32 $0xFFFFF086  }
0x25: {  	[simem:s6], [sflag:s4] =	dma.local [hbm:s3], $0xF7A  }
0x26: {  	[smem:$0x3F91] =	sst s1;
	(tag) =	ssettag s2;
	_ =	strace s9  }
0x27: {  	s1 =	sld [smem:$0x3FA1]  }
0x28: {  	s2 =	sld [smem:$0x3FA2]  }
0x29: {  	s4 =	sld [smem:$0x3FA4]  }
0x2a: {  	p0 =	seq.s32 s5, $0x0;
	s5 =	sld [smem:$0x3FA5]  }
0x2b: {  	s6 =	sld [smem:$0x3FA6]  }
0x2c: {  	s7 =	sld [smem:$0x3FA7]  }
0x2d: {  	s3 =	simm.s32 $0x108;
	s8 =	sld [smem:$0x3FA8]  }
0x2e: {  	s3 =	simm.s32 @!p0 $0x1082;
	s9 =	sld [smem:$0x3FA9]  }
0x2f: {  	lr =	sadd.s32 s0, s3;
	s0 =	sld [smem:$0x3FA0]  }
0x30: {  	s3 =	sld [smem:$0x3FA3]  }
0x31: {  	[smem:$0x3FAC] =	sst s10  }
0x32: {  	s10 =	sld [smem:$0x3FAA];
	_ =	sdelay $0x3  }
0x33: {  	p0 =	seq.s32 s10, $0x1;
	s10 =	sld [smem:$0x3FAC];
	_ =	sdelay $0x3  }
0x34: {  	[smem:$0x3FAC] =	sst s10  }
0x35: {  	s10 =	sld [smem:$0x3FAB];
	_ =	sdelay $0x3  }
0x36: {  	p1 =	seq.s32 s10, $0x1;
	s10 =	sld [smem:$0x3FAC];
	_ =	sdelay $0x3  }
0x37: {  	[smem:$0x3FAC] =	sst s10  }
0x38: {  	s10 =	sld [smem:$0x3FAD]  }
0x39: {  	_ = 	snop;
	(pc) =	sbr.ind lr, $3  }
0x3a: {  	_ = 	snop  }
0x3b: {  	_ = 	snop  }
0x3c: {  	p2 =	seq.s32 s10, $0x1;
	s10 =	sld [smem:$0x3FAC]  }
0x3d: {  	_ =	shalt  }
0x3e: {  	_ =	shalt  }
0x3f: {  	_ =	shalt  }
0x40: {  	_ =	shalt  }
0x41: {  	_ =	shalt  }
0x42: {  	_ =	shalt  }
0x43: {  	_ =	shalt  }
0x44: {  	_ =	shalt  }
0x45: {  	_ =	shalt  }
0x46: {  	_ =	shalt  }
0x47: {  	_ =	shalt  }
0x48: {  	_ =	shalt  }
0x49: {  	_ =	shalt  }
0x4a: {  	_ =	shalt  }
0x4b: {  	_ =	shalt  }
0x4c: {  	_ =	shalt  }
0x4d: {  	_ =	shalt  }
0x4e: {  	_ =	shalt  }
0x4f: {  	_ =	shalt  }
0x50: {  	_ =	shalt  }
0x51: {  	_ =	shalt  }
0x52: {  	_ =	shalt  }
0x53: {  	_ =	shalt  }
0x54: {  	_ =	shalt  }
0x55: {  	_ =	shalt  }
0x56: {  	_ =	shalt  }
0x57: {  	_ =	shalt  }
0x58: {  	_ =	shalt  }
0x59: {  	_ =	shalt  }
0x5a: {  	_ =	shalt  }
0x5b: {  	_ =	shalt  }
0x5c: {  	_ =	shalt  }
0x5d: {  	_ =	shalt  }
0x5e: {  	_ =	shalt  }
0x5f: {  	_ =	shalt  }
0x60: {  	_ =	shalt  }
0x61: {  	_ =	shalt  }
0x62: {  	_ =	shalt  }
0x63: {  	_ =	shalt  }
0x64: {  	_ =	shalt  }
0x65: {  	_ =	shalt  }
0x66: {  	_ =	shalt  }
0x67: {  	_ =	shalt  }
0x68: {  	_ =	shalt  }
0x69: {  	_ =	shalt  }
0x6a: {  	_ =	shalt  }
0x6b: {  	_ =	shalt  }
0x6c: {  	_ =	shalt  }
0x6d: {  	_ =	shalt  }
0x6e: {  	_ =	shalt  }
0x6f: {  	_ =	shalt  }
0x70: {  	_ =	shalt  }
0x71: {  	_ =	shalt  }
0x72: {  	_ =	shalt  }
0x73: {  	_ =	shalt  }
0x74: {  	_ =	shalt  }
0x75: {  	_ =	shalt  }
0x76: {  	_ =	shalt  }
0x77: {  	_ =	shalt  }
0x78: {  	_ =	shalt  }
0x79: {  	_ =	shalt  }
0x7a: {  	_ =	shalt  }
0x7b: {  	_ =	shalt  }
0x7c: {  	_ =	shalt  }
0x7d: {  	_ =	shalt  }
0x7e: {  	_ =	shalt  }
0x7f: {  	_ =	shalt  }
0x80: {  	_ =	shalt  }
0x81: {  	_ =	shalt  }
0x82: {  	_ =	shalt  }
0x83: {  	_ =	shalt  }
0x84: {  	_ =	shalt  }
0x85: {  	_ =	shalt  }
0x86: {  	_ =	shalt  }
0x87: {  	_ =	shalt  }
.Lfunc_end0:
.L_simem_size_0:
called_computation.1_lowered:
.L_overlay_start_0:
0x88: {  	s2 =	sld [smem:$0x3FD9]  }
0x89: {  	s3 =	sld [smem:$0x3FFE];
	_ =	sdelay $0x1  }
0x8a: {  	s1 =	srdreg.scid  }
0x8b: {  	s0 =	sand.u32 $0x1, s1  }
0x8c: {  	s17 =	sshll.u32 s0, $0xA;
	s2 =	sadd.s32 s3, s2  }
0x8d: {  	s2 =	sadd.s32 s2, s17  }
0x8e: {  	[smem:$0x3FB8] =	sst s2  }
0x8f: {  	_ = 	snop  }
0x90: {  	s2 =	sld [smem:$0x3FD0];
	(tm) =	ssettm $0x1  }
0x91: {  	s18 =	sld [smem:$0x3FFB];
	_ =	sdelay $0x3  }
0x92: {  	_ =	strace s18  }
0x93: {  	s3 =	sld [smem:$0x3FFC];
	_ =	sdelay $0x3  }
0x94: {  	_ =	strace s3  }
0x95: {  	s3 =	sld [smem:$0x3FFD];
	_ =	sdelay $0x3  }
0x96: {  	_ =	strace s3  }
0x97: {  	_ =	strace $0x8FFFFFFF  }
0x98: {  	s19 =	sld [smem:$0x3FDB];
	_ =	sdelay $0x1  }
0x99: {  	s4 =	simm.s32 $_scs_section_size  }
0x9a: {  	s5 =	simm.s32 $_size__tile_overlayer_lowered;
	s6 =	simm.s32 $_tile_overlayer_lowered  }
0x9b: {  	s22 =	simm.s32 $0x1BFF;
	s21 =	sshll.u32 s6, $0x1;
	s3 =	sadd.s32 s4, s19  }
0x9c: {  	s7 =	simm.s32 $0x0;
	s20 =	sshll.u32 s5, $0x1;
	s5 =	sadd.s32 s21, s3  }
0x9d: {  	[timem:s7], [sflag:s22] =	dma.local [hbm:s5], s20  }
0x9e: {  	_ =	swait.ge [sflag:s22], s20  }
0x9f: {  	s4 =	ssub.s32 $0x0, s20;
	[sflag:s22] =	ssyncset.done $0x0  }
0xa0: {  	[sflag:s22] =	ssyncadd.s32 s4;
	_ =	sdelay $0x1  }
0xa1: {  	s23 =	simm.s32 $0x1B8B  }
0xa2: {  	_ =	swait.ge [sflag:s23], $0x1  }
0xa3: {  	[sflag:s23] =	ssyncset.done $0x0  }
0xa4: {  	s25 =	simm.s32 $0x1B8E;
	s24 =	sld [smem:$0x3FFE];
	[sflag:s23] =	ssyncadd.s32 $0xFFFFFFFF  }
0xa5: {  	s26 =	simm.s32 $execute0_lowered;
	[smem:$0x3FD2] =	sst s25  }
0xa6: {  	s5 =	sshll.u32 s26, $0x1;
	_ =	strace $0x80000049;
	[dreg:$0x1] =	wrdreg $0xFFFFFFFF  }
0xa7: {  	s28 =	simm.s32 $_size_execute0_lowered;
	s3 =	sadd.s32 s3, s5;
	[dreg:$0x0] =	wrdreg $0x0  }
0xa8: {  	s5 =	sshll.u32 s28, $0x1;
	[dreg:$0x2] =	wrdreg s3  }
0xa9: {  	[dreg:$0x3] =	wrdreg s5  }
0xaa: {  	[dreg:$0x4] =	wrdreg $0xC0  }
0xab: {  	_ =	task [dreg:s7], $0x5FFFF  }
0xac: {  	[dreg:$0x1] =	wrdreg $0xFFFFFFFF  }
0xad: {  	[dreg:$0x0] =	wrdreg $0x60  }
0xae: {  	[dreg:$0x2] =	wrdreg s2  }
0xaf: {  	[dreg:$0x3] =	wrdreg s24  }
0xb0: {  	[dreg:$0x4] =	wrdreg $0x120000  }
0xb1: {  	[dreg:$0x5] =	wrdreg $0x9  }
0xb2: {  	_ =	task.clear_ibuf [dreg:s7], $0x6FFFF;
	_ =	strace $0x90000049  }
0xb3: {  	s29 =	simm.s32 $0x9;
	_ =	strace $0x8000004B  }
0xb4: {  	_ =	swait.ge [sflag:s29], $0x1  }
0xb5: {  	[sflag:s29] =	ssyncadd.s32 $0xFFFFFFFF  }
0xb6: {  	_ =	strace $0x9000004B  }
0xb7: {  	_ =	sfence  }
0xb8: {  	s30 =	sld [smem:$0x0];
	_ =	sdelay $0x2  }
0xb9: {  	s31 =	sshll.u32 s1, $0xD;
	s1 =	sshrl.u32 s1, $0x2  }
0xba: {  	s3 =	sand.u32 $0x4000, s31;
	s1 =	sadd.s32 s1, s30  }
0xbb: {  	s0 =	sor.u32 s3, s0;
	s1 =	sshll.u32 s1, $0x11  }
0xbc: {  	s0 =	sor.u32 s1, s0  }
0xbd: {  	s0 =	sadd.s32 $0x8F2B, s0  }
0xbe: {  	[sflag:s0] =	ssyncadd.remote.s32 $0x1  }
0xbf: {  	_ =	sfence.sel $0xFFFF  }
0xc0: {  	[dreg:$0x0] =	wrdreg $0xFFFFFFFF;
	(pc) =	sbr.abs _section_cstart, $3  }
0xc1: {  	[dreg:$0x1] =	wrdreg $0xFFFFFFFF  }
0xc2: {  	_ =	task.clear_ibuf [dreg:s7], $0x2FFFF;
	_ =	strace $0x9FFFFFFF  }
0xc3: {  	(tm) =	ssettm $0x7FFFFFFF  }
tec
execute0_lowered:
.L_overlay_start_1:
0x0: {  	(tag) =	ssettag $0x1  }
0x1: {  	s0 =	rddreg [dreg:$0x0]  }
0x2: {  	s1 =	rddreg [dreg:$0x1];
	s12 =	stileid.u32  }
0x3: {  	s3 =	srdreg.scid;
	s2 =	rddreg [dreg:$0x2]  }
0x4: {  	s11 =	simm.s32 $0x5000;
	s14 =	simm.s32 $0x80;
	s15 =	simm.s32 $0xA000  }
0x5: {  	s16 =	simm.s32 $0xC000;
	s17 =	simm.s32 $0x100;
	s18 =	simm.s32 $0xE000  }
0x6: {  	s19 =	simm.s32 $0x1;
	s21 =	simm.s32 $0x10000;
	s22 =	simm.s32 $0x2  }
0x7: {  	s23 =	simm.s32 $0x5;
	s24 =	simm.s32 $0x3;
	s4 =	smul.u32 $0xA00, s12  }
0x8: {  	s28 =	simm.s32 $0x7;
	s29 =	simm.s32 $0x8;
	s6 =	smul.u32 $0x9E00, s12  }
0x9: {  	s5 =	sand.u32 $0x1, s3;
	s3 =	simm.s32 $0x0;
	s31 =	sshll.u32 s12, $0x6  }
0xa: {  	s7 =	smul.u32 $0x9E000, s5;
	[smem:$0x7FF] =	sst s3;
	s9 =	ssub.s32 $0x2, s5  }
0xb: {  	s10 =	smul.u32 $0x13880, s5;
	s12 =	sor.u32 $0x1C09, s31;
	_ =	strace $0x8000004A  }
0xc: {  	s8 =	sadd.s32 s4, s1;
	s26 =	sshrl.u32 s6, $0x3;
	s30 =	sshrl.u32 s9, $0x1  }
0xd: {  	s13 =	sadd.s32 s6, s2;
	s25 =	sadd.s32 s6, s7;
	s7 =	sadd.s32 s26, s1  }
0xe: {  	s9 =	ssub.s32 s9, s30;
	s5 =	sadd.s32 $0x1E00, s8;
	s13 =	sshrl.u32 s13, $0x3  }
0xf: {  	s26 =	simm.s32 $0x4;
	s4 =	sshrl.u32 s25, $0x3;
	s6 =	sadd.s32 $0x15E00, s7  }
0x10: {  	s7 =	sadd.s32 s0, s10;
	s9 =	smax.u32 s9, $0x1;
	s10 =	simm.s32 $0x9  }
0x11: {  	s25 =	simm.s32 $0x6;
	s0 =	simm.s32 $0x0;
	s1 =	sadd.s32 s4, s1  }
0x12: {  	s4 =	sadd.s32 $0xBE00, s8;
	s8 =	sadd.s32 $0x29A00, s1;
	s1 =	simm.s32 $0x9F80  }
.LBB2_1:
0x13: {  	[tilespmem:s3], [sflag:$0x9] =	stream.linear.gather [hbm4b:s4+s3], $0x5000, $0x38;
	[tilespmem:$0x1BE00] =	vst v63  }
0x14: {  	_ =	swait.ge [sflag:s10], $0x5000  }
0x15: {  	[sflag:s10] =	ssyncset.done $0x0  }
0x16: {  	[sflag:s10] =	ssyncadd.s32 $0xFFFFB000  }
0x17: {  	[tilespmem:s11], [sflag:$0x9] =	stream.linear.gather [hbm4b:s5+s3], $0x5000, $0x38;
	[tilespmem:$0x1BE00] =	vst v63  }
0x18: {  	_ =	swait.ge [sflag:s10], $0x5000  }
0x19: {  	[sflag:s10] =	ssyncset.done $0x0  }
0x1a: {  	[sflag:s10] =	ssyncadd.s32 $0xFFFFB000  }
0x1b: {  	[spmem:s13], [sflag:s12] =	dma.local [hbm:s6], $0x13C0  }
0x1c: {  	_ =	swait.ge [sflag:s10], $0x13C0  }
0x1d: {  	[sflag:s10] =	ssyncset.done $0x0  }
0x1e: {  	[sflag:s10] =	ssyncadd.s32 $0xFFFFEC40  }
0x1f: {  	[bflag:$0x0] =	sbarrier.arrive $0xFFFF  }
0x20: {  	[tilespmem:s15], [sflag:$0x1] =	stream.indirect.gather [hbm4b:s7+s14], $0x40, s3, s14, $0xb8;
	[tilespmem:$0x1BE00] =	vst v63  }
0x21: {  	_ = 	snop  }
0x22: {  	[tilespmem:s16], [sflag:$0x2] =	stream.indirect.gather [hbm4b:s7+s14], $0x40, s14, s14, $0xb8;
	[tilespmem:$0x1BE00] =	vst v63  }
0x23: {  	_ = 	snop  }
0x24: {  	[tilespmem:s18], [sflag:$0x3] =	stream.indirect.gather [hbm4b:s7+s14], $0x40, s17, s14, $0xb8;
	[tilespmem:$0x1BE00] =	vst v63  }
0x25: {  	_ =	swait.ge [sflag:s19], $0x2000  }
0x26: {  	[sflag:s19] =	ssyncset.done $0x0  }
0x27: {  	[sflag:s19] =	ssyncadd.s32 $0xFFFFE000  }
0x28: {  	[spmem:s2] =	stream.indirect.scatter.add.f32 [tilespmem:s15], [sflag:$0x5], $0x40, s11, s14, $0xb8;
	[tilespmem:$0x1BE00] =	vst v63  }
0x29: {  	s20 =	simm.s32 $0x180  }
0x2a: {  	[tilespmem:s21], [sflag:$0x4] =	stream.indirect.gather [hbm4b:s7+s14], $0x40, s20, s14, $0xb8;
	[tilespmem:$0x1BE00] =	vst v63  }
0x2b: {  	_ =	swait.ge [sflag:s22], $0x2000  }
0x2c: {  	[sflag:s22] =	ssyncset.done $0x0  }
0x2d: {  	s31 =	simm.s32 $0x5080;
	[sflag:s22] =	ssyncadd.s32 $0xFFFFE000  }
0x2e: {  	[spmem:s2] =	stream.indirect.scatter.add.f32 [tilespmem:s16], [sflag:$0x6], $0x40, s31, s14, $0xb8;
	[tilespmem:$0x1BE00] =	vst v63  }
0x2f: {  	_ =	swait.ge [sflag:s23], $0x2000  }
0x30: {  	[sflag:s23] =	ssyncset.done $0x0  }
0x31: {  	s31 =	simm.s32 $0x200;
	[sflag:s23] =	ssyncadd.s32 $0xFFFFE000  }
0x32: {  	[tilespmem:s15], [sflag:$0x1] =	stream.indirect.gather [hbm4b:s7+s14], $0x40, s31, s14, $0xb8;
	[tilespmem:$0x1BE00] =	vst v63  }
0x33: {  	_ =	swait.ge [sflag:s24], $0x2000  }
0x34: {  	[sflag:s24] =	ssyncset.done $0x0  }
0x35: {  	s31 =	simm.s32 $0x5100;
	[sflag:s24] =	ssyncadd.s32 $0xFFFFE000  }
0x36: {  	[spmem:s2] =	stream.indirect.scatter.add.f32 [tilespmem:s18], [sflag:$0x7], $0x40, s31, s14, $0xb8;
	[tilespmem:$0x1BE00] =	vst v63  }
0x37: {  	_ =	swait.ge [sflag:s25], $0x2000  }
0x38: {  	[sflag:s25] =	ssyncset.done $0x0  }
0x39: {  	s31 =	simm.s32 $0x280;
	[sflag:s25] =	ssyncadd.s32 $0xFFFFE000  }
0x3a: {  	[tilespmem:s16], [sflag:$0x2] =	stream.indirect.gather [hbm4b:s7+s14], $0x40, s31, s14, $0xb8;
	[tilespmem:$0x1BE00] =	vst v63  }
0x3b: {  	_ =	swait.ge [sflag:s26], $0x2000  }
0x3c: {  	[sflag:s26] =	ssyncset.done $0x0  }
0x3d: {  	s31 =	simm.s32 $0x5180;
	[sflag:s26] =	ssyncadd.s32 $0xFFFFE000  }
0x3e: {  	[spmem:s2] =	stream.indirect.scatter.add.f32 [tilespmem:s21], [sflag:$0x8], $0x40, s31, s14, $0xb8;
	[tilespmem:$0x1BE00] =	vst v63  }
0x3f: {  	_ =	swait.ge [sflag:s28], $0x2000  }
0x40: {  	[sflag:s28] =	ssyncset.done $0x0  }
0x41: {  	s31 =	simm.s32 $0x300;
	[sflag:s28] =	ssyncadd.s32 $0xFFFFE000  }
0x42: {  	[tilespmem:s18], [sflag:$0x3] =	stream.indirect.gather [hbm4b:s7+s14], $0x40, s31, s14, $0xb8;
	[tilespmem:$0x1BE00] =	vst v63  }
0x43: {  	_ =	swait.ge [sflag:s19], $0x2000  }
0x44: {  	[sflag:s19] =	ssyncset.done $0x0  }
0x45: {  	s31 =	simm.s32 $0x5200;
	[sflag:s19] =	ssyncadd.s32 $0xFFFFE000  }
0x46: {  	[spmem:s2] =	stream.indirect.scatter.add.f32 [tilespmem:s15], [sflag:$0x5], $0x40, s31, s14, $0xb8;
	[tilespmem:$0x1BE00] =	vst v63  }
0x47: {  	_ =	swait.ge [sflag:s29], $0x2000  }
0x48: {  	[sflag:s29] =	ssyncset.done $0x0  }
0x49: {  	s30 =	simm.s32 $0x380;
	s20 =	simm.s32 $0x800;
	[sflag:s29] =	ssyncadd.s32 $0xFFFFE000  }
.LBB2_2:
0x4a: {  	[tilespmem:s21], [sflag:$0x4] =	stream.indirect.gather [hbm4b:s7+s14], $0x40, s30, s14, $0xb8;
	[tilespmem:$0x1BE00] =	vst v63  }
0x4b: {  	s30 =	smov.u32 s20  }
0x4c: {  	p0 =	sne.s32 s20, $0x13000;
	s20 =	sadd.s32 $0x800, s20;
	_ =	swait.ge [sflag:s22], $0x2000  }
0x4d: {  	s30 =	sshra.s32 s30, $0x2;
	[sflag:s22] =	ssyncset.done $0x0  }
0x4e: {  	s31 =	sadd.s32 $0x5080, s30;
	[sflag:s22] =	ssyncadd.s32 $0xFFFFE000  }
0x4f: {  	[spmem:s2] =	stream.indirect.scatter.add.f32 [tilespmem:s16], [sflag:$0x6], $0x40, s31, s14, $0xb8;
	[tilespmem:$0x1BE00] =	vst v63  }
0x50: {  	_ =	swait.ge [sflag:s23], $0x2000  }
0x51: {  	[sflag:s23] =	ssyncset.done $0x0  }
0x52: {  	s31 =	sadd.s32 $0x200, s30;
	[sflag:s23] =	ssyncadd.s32 $0xFFFFE000  }
0x53: {  	[tilespmem:s15], [sflag:$0x1] =	stream.indirect.gather [hbm4b:s7+s14], $0x40, s31, s14, $0xb8;
	[tilespmem:$0x1BE00] =	vst v63  }
0x54: {  	_ =	swait.ge [sflag:s24], $0x2000  }
0x55: {  	[sflag:s24] =	ssyncset.done $0x0  }
0x56: {  	s31 =	sadd.s32 $0x5100, s30;
	[sflag:s24] =	ssyncadd.s32 $0xFFFFE000  }
0x57: {  	[spmem:s2] =	stream.indirect.scatter.add.f32 [tilespmem:s18], [sflag:$0x7], $0x40, s31, s14, $0xb8;
	[tilespmem:$0x1BE00] =	vst v63  }
0x58: {  	_ =	swait.ge [sflag:s25], $0x2000  }
0x59: {  	[sflag:s25] =	ssyncset.done $0x0  }
0x5a: {  	s31 =	sadd.s32 $0x280, s30;
	[sflag:s25] =	ssyncadd.s32 $0xFFFFE000  }
0x5b: {  	[tilespmem:s16], [sflag:$0x2] =	stream.indirect.gather [hbm4b:s7+s14], $0x40, s31, s14, $0xb8;
	[tilespmem:$0x1BE00] =	vst v63  }
0x5c: {  	_ =	swait.ge [sflag:s26], $0x2000  }
0x5d: {  	[sflag:s26] =	ssyncset.done $0x0  }
0x5e: {  	s31 =	sadd.s32 $0x5180, s30;
	[sflag:s26] =	ssyncadd.s32 $0xFFFFE000  }
0x5f: {  	[spmem:s2] =	stream.indirect.scatter.add.f32 [tilespmem:s21], [sflag:$0x8], $0x40, s31, s14, $0xb8;
	[tilespmem:$0x1BE00] =	vst v63  }
0x60: {  	_ =	swait.ge [sflag:s28], $0x2000  }
0x61: {  	[sflag:s28] =	ssyncset.done $0x0  }
0x62: {  	s31 =	sadd.s32 $0x300, s30;
	[sflag:s28] =	ssyncadd.s32 $0xFFFFE000  }
0x63: {  	[tilespmem:s18], [sflag:$0x3] =	stream.indirect.gather [hbm4b:s7+s14], $0x40, s31, s14, $0xb8;
	[tilespmem:$0x1BE00] =	vst v63  }
0x64: {  	_ =	swait.ge [sflag:s19], $0x2000  }
0x65: {  	[sflag:s19] =	ssyncset.done $0x0  }
.Ltmp0:
0x66: {  	s31 =	sadd.s32 $0x5200, s30;
	[sflag:s19] =	ssyncadd.s32 $0xFFFFE000;
	(pc) =	sbr.rel @p0 .LBB2_2-.Ltmp0, $4  }
0x67: {  	[spmem:s2] =	stream.indirect.scatter.add.f32 [tilespmem:s15], [sflag:$0x5], $0x40, s31, s14, $0xb8;
	[tilespmem:$0x1BE00] =	vst v63  }
0x68: {  	_ =	swait.ge [sflag:s29], $0x2000  }
0x69: {  	[sflag:s29] =	ssyncset.done $0x0  }
0x6a: {  	s30 =	sadd.s32 $0x380, s30;
	[sflag:s29] =	ssyncadd.s32 $0xFFFFE000  }
0x6b: {  	[tilespmem:s21], [sflag:$0x4] =	stream.indirect.gather [hbm4b:s7+s14], $0x40, s30, s14, $0xb8;
	[tilespmem:$0x1BE00] =	vst v63  }
0x6c: {  	_ =	swait.ge [sflag:s22], $0x2000  }
0x6d: {  	[sflag:s22] =	ssyncset.done $0x0  }
0x6e: {  	s20 =	simm.s32 $0x9E80;
	[sflag:s22] =	ssyncadd.s32 $0xFFFFE000  }
0x6f: {  	[spmem:s2] =	stream.indirect.scatter.add.f32 [tilespmem:s16], [sflag:$0x6], $0x40, s20, s14, $0xb8;
	[tilespmem:$0x1BE00] =	vst v63  }
0x70: {  	_ =	swait.ge [sflag:s23], $0x2000  }
0x71: {  	[sflag:s23] =	ssyncset.done $0x0  }
0x72: {  	[sflag:s23] =	ssyncadd.s32 $0xFFFFE000  }
0x73: {  	[tilespmem:s15], [sflag:$0x1] =	stream.indirect.gather [hbm4b:s7+s14], $0x40, s3, s14, $0xb8;
	[tilespmem:$0x1BE00] =	vst v63  }
0x74: {  	_ =	swait.ge [sflag:s24], $0x2000  }
0x75: {  	[sflag:s24] =	ssyncset.done $0x0  }
0x76: {  	s31 =	simm.s32 $0x9F00;
	[sflag:s24] =	ssyncadd.s32 $0xFFFFE000  }
0x77: {  	[spmem:s2] =	stream.indirect.scatter.add.f32 [tilespmem:s18], [sflag:$0x7], $0x40, s31, s14, $0xb8;
	[tilespmem:$0x1BE00] =	vst v63  }
0x78: {  	_ =	swait.ge [sflag:s25], $0x2000  }
0x79: {  	[sflag:s25] =	ssyncset.done $0x0  }
0x7a: {  	[sflag:s25] =	ssyncadd.s32 $0xFFFFE000  }
0x7b: {  	[tilespmem:s16], [sflag:$0x2] =	stream.indirect.gather [hbm4b:s7+s14], $0x40, s14, s14, $0xb8;
	[tilespmem:$0x1BE00] =	vst v63  }
0x7c: {  	_ =	swait.ge [sflag:s26], $0x2000  }
0x7d: {  	[sflag:s26] =	ssyncset.done $0x0  }
0x7e: {  	[sflag:s26] =	ssyncadd.s32 $0xFFFFE000  }
0x7f: {  	[spmem:s2] =	stream.indirect.scatter.add.f32 [tilespmem:s21], [sflag:$0x8], $0x40, s1, s14, $0xb8;
	[tilespmem:$0x1BE00] =	vst v63  }
0x80: {  	_ =	swait.ge [sflag:s28], $0x2000  }
0x81: {  	[sflag:s28] =	ssyncset.done $0x0  }
0x82: {  	[sflag:s28] =	ssyncadd.s32 $0xFFFFE000  }
0x83: {  	[tilespmem:s18], [sflag:$0x3] =	stream.indirect.gather [hbm4b:s7+s14], $0x40, s17, s14, $0xb8;
	[tilespmem:$0x1BE00] =	vst v63  }
0x84: {  	_ =	swait.ge [sflag:s29], $0x2000  }
0x85: {  	[sflag:s29] =	ssyncset.done $0x0  }
0x86: {  	[sflag:s29] =	ssyncadd.s32 $0xFFFFE000  }
0x87: {  	_ =	swait.ge [sflag:s19], $0x2000  }
0x88: {  	[sflag:s19] =	ssyncset.done $0x0  }
0x89: {  	[sflag:s19] =	ssyncadd.s32 $0xFFFFE000  }
0x8a: {  	_ =	swait.ge [sflag:s22], $0x2000  }
0x8b: {  	[sflag:s22] =	ssyncset.done $0x0  }
0x8c: {  	[sflag:s22] =	ssyncadd.s32 $0xFFFFE000  }
0x8d: {  	_ =	swait.ge [sflag:s24], $0x2000  }
0x8e: {  	s0 =	sadd.s32 $0x1, s0;
	[sflag:s24] =	ssyncset.done $0x0  }
0x8f: {  	p0 =	sne.s32 s0, s9;
	[sflag:s24] =	ssyncadd.s32 $0xFFFFE000  }
.Ltmp1:
0x90: {  	[bflag:$0x0] =	sbarrier.arrive $0xFFFF;
	(pc) =	sbr.rel @p0 .LBB2_1-.Ltmp1, $4  }
0x91: {  	[hbm:s8], [sflag:s12] =	dma.local [spmem:s13], $0x13C0  }
0x92: {  	_ =	swait.ge [sflag:s10], $0x13C0  }
0x93: {  	[sflag:s10] =	ssyncset.done $0x0  }
0x94: {  	[sflag:s10] =	ssyncadd.s32 $0xFFFFEC40  }
0x95: {  	_ =	sfence.sel $0x180000  }
0x96: {  	[bflag:$0x0] =	sbarrier.arrive $0xFFFF  }
0x97: {  	_ =	strace $0x9000004A  }
0x98: {  	s0 =	stileid.u32;
	[bflag:$0x2] =	sbarrier.arrive $0xFFFF  }
0x99: {  	p0 =	sne.s32 s0, $0x0;
	s0 =	rddreg [dreg:$0x3]  }
0x9a: {  	s0 =	sadd.s32 @!p0 $0x100000, s0  }
0x9b: {  	[sflag:s0] =	ssyncadd.tile.s32 @!p0 $0x1;
	_ =	shalt  }
.Lfunc_end2:
_tile_overlayer_lowered:
.L_overlay_start_2:
0x9c: {  	(tag) =	ssettag $0x2  }
0x9d: {  	s0 =	rddreg [dreg:$0x0];
	s2 =	stileid.u32  }
0x9e: {  	s1 =	rddreg [dreg:$0x1];
	p0 =	sne.s32 s2, $0x0  }
0x9f: {  	s3 =	rddreg [dreg:$0x2];
	[bflag:$0x3] =	sbarrier.arrive $0xFFFF;
	s2 =	simm.s32 @!p0 $0x1C09  }
0xa0: {  	[timem:s3], [sflag:s2] =	dma.local @!p0 [hbm:s0], s1  }
0xa1: {  	s0 =	simm.s32 @!p0 $0x9  }
0xa2: {  	_ =	swait.ge @!p0 [sflag:s0], s1  }
0xa3: {  	s1 =	ssub.s32 @!p0 $0x0, s1;
	[sflag:s0] =	ssyncset.done @!p0 $0x0  }
0xa4: {  	[sflag:s0] =	ssyncadd.s32 @!p0 s1  }
0xa5: {  	[bflag:$0x3] =	sbarrier.arrive $0xFFFF  }
0xa6: {  	_ =	shalt  }

// kernel: kernel.7.cloned.1.call-start
scs
__scs_entry_jumppad:
0x0: {  	(pc) =	sbr.rel $0x88, $3  }
0x1: {  	(tag) =	ssettag $0x0;
	lr =	simm.s32 $0x1  }
0x2: {  	[smem:$0x3F91] =	sst lr;
	_ =	strace $0xD0000000  }
0x3: {  	_ = 	snop  }
0x4: {  	_ = 	snop  }
0x5: {  	_ = 	snop  }
0x6: {  	_ = 	snop  }
0x7: {  	_ = 	snop  }
__scs_overlays_trampoline_lowered:
0x8: {  	[smem:$0x3FA0] =	sst s0  }
0x9: {  	[smem:$0x3FA1] =	sst s1  }
0xa: {  	[smem:$0x3FA2] =	sst s2  }
0xb: {  	[smem:$0x3FA3] =	sst s3  }
0xc: {  	[smem:$0x3FA4] =	sst s4  }
0xd: {  	[smem:$0x3FA5] =	sst s5  }
0xe: {  	[smem:$0x3FA6] =	sst s6  }
0xf: {  	[smem:$0x3FA7] =	sst s7  }
0x10: {  	[smem:$0x3FA8] =	sst s8  }
0x11: {  	[smem:$0x3FA9] =	sst s9;
	s0 =	simm.s32 @!p0 $0x0  }
0x12: {  	s1 =	sld [smem:$0x3F8F];
	s0 =	simm.s32 @p0 $0x1  }
0x13: {  	[smem:$0x3FAA] =	sst s0;
	s0 =	simm.s32 @!p1 $0x0  }
0x14: {  	s2 =	sld [smem:$0x3F8E];
	s0 =	simm.s32 @p1 $0x1  }
0x15: {  	[smem:$0x3FAB] =	sst s0;
	s0 =	simm.s32 @!p2 $0x0  }
0x16: {  	s3 =	sld [smem:$0x3FDB];
	s0 =	simm.s32 @p2 $0x1  }
0x17: {  	s4 =	simm.s32 $0x1BF5;
	[smem:$0x3FAD] =	sst s0  }
0x18: {  	s0 =	sld [smem:$0x3F90];
	_ =	swait.ge [sflag:s4], $0x0  }
0x19: {  	s7 =	sld [smem:$0x3F91]  }
0x1a: {  	s8 =	sadd.s32 $0xFFFFE003, lr  }
0x1b: {  	s9 =	sadd.s32 $0xFFFFFEF7, lr;
	s5 =	simm.s32 $0xFFFFFFFF;
	p2 =	slt.u32 s8, $0xFFFFF086  }
0x1c: {  	p1 =	slt.u32 s9, $0xF7A;
	s5 =	simm.s32 @!p2 $0x0  }
0x1d: {  	s5 =	simm.s32 @p1 $0x1;
	p0 =	seq.s32 s7, s2  }
0x1e: {  	s7 =	smul.u32 @!p0 $0xF7A, s2;
	p2 =	seq.s32 @!p0 s5, $0x0  }
0x1f: {  	s9 =	smul.u32 $0xF7A, s1;
	s8 =	simm.s32 @!p0 $0x1BF5;
	p2 =	por !p2, p0  }
0x20: {  	[sflag:s8] =	ssyncset.s32 @!p0 $0xFFFFF086;
	s6 =	sadd.s32 @!p0 s3, s7;
	s7 =	simm.s32 @!p0 $0x108  }
0x21: {  	s3 =	sadd.s32 s3, s9;
	s6 =	sadd.s32 @!p0 $0x88, s6;
	s7 =	simm.s32 @p2 $0x1082  }
0x22: {  	[simem:s7], [sflag:s8] =	dma.local @!p0 [hbm:s6], $0xF7A  }
0x23: {  	s9 =	sor.u32 $0xD0000000, s2;
	s6 =	simm.s32 $0x108;
	_ =	swait.ge @!p0 [sflag:s8], $0x0  }
0x24: {  	s3 =	sadd.s32 $0x88, s3;
	s6 =	simm.s32 @!p1 $0x1082;
	[sflag:s4] =	ssyncset.s32 $0xFFFFF086  }
0x25: {  	[simem:s6], [sflag:s4] =	dma.local [hbm:s3], $0xF7A  }
0x26: {  	[smem:$0x3F91] =	sst s1;
	(tag) =	ssettag s2;
	_ =	strace s9  }
0x27: {  	s1 =	sld [smem:$0x3FA1]  }
0x28: {  	s2 =	sld [smem:$0x3FA2]  }
0x29: {  	s4 =	sld [smem:$0x3FA4]  }
0x2a: {  	p0 =	seq.s32 s5, $0x0;
	s5 =	sld [smem:$0x3FA5]  }
0x2b: {  	s6 =	sld [smem:$0x3FA6]  }
0x2c: {  	s7 =	sld [smem:$0x3FA7]  }
0x2d: {  	s3 =	simm.s32 $0x108;
	s8 =	sld [smem:$0x3FA8]  }
0x2e: {  	s3 =	simm.s32 @!p0 $0x1082;
	s9 =	sld [smem:$0x3FA9]  }
0x2f: {  	lr =	sadd.s32 s0, s3;
	s0 =	sld [smem:$0x3FA0]  }
0x30: {  	s3 =	sld [smem:$0x3FA3]  }
0x31: {  	[smem:$0x3FAC] =	sst s10  }
0x32: {  	s10 =	sld [smem:$0x3FAA];
	_ =	sdelay $0x3  }
0x33: {  	p0 =	seq.s32 s10, $0x1;
	s10 =	sld [smem:$0x3FAC];
	_ =	sdelay $0x3  }
0x34: {  	[smem:$0x3FAC] =	sst s10  }
0x35: {  	s10 =	sld [smem:$0x3FAB];
	_ =	sdelay $0x3  }
0x36: {  	p1 =	seq.s32 s10, $0x1;
	s10 =	sld [smem:$0x3FAC];
	_ =	sdelay $0x3  }
0x37: {  	[smem:$0x3FAC] =	sst s10  }
0x38: {  	s10 =	sld [smem:$0x3FAD]  }
0x39: {  	_ = 	snop;
	(pc) =	sbr.ind lr, $3  }
0x3a: {  	_ = 	snop  }
0x3b: {  	_ = 	snop  }
0x3c: {  	p2 =	seq.s32 s10, $0x1;
	s10 =	sld [smem:$0x3FAC]  }
0x3d: {  	_ =	shalt  }
0x3e: {  	_ =	shalt  }
0x3f: {  	_ =	shalt  }
0x40: {  	_ =	shalt  }
0x41: {  	_ =	shalt  }
0x42: {  	_ =	shalt  }
0x43: {  	_ =	shalt  }
0x44: {  	_ =	shalt  }
0x45: {  	_ =	shalt  }
0x46: {  	_ =	shalt  }
0x47: {  	_ =	shalt  }
0x48: {  	_ =	shalt  }
0x49: {  	_ =	shalt  }
0x4a: {  	_ =	shalt  }
0x4b: {  	_ =	shalt  }
0x4c: {  	_ =	shalt  }
0x4d: {  	_ =	shalt  }
0x4e: {  	_ =	shalt  }
0x4f: {  	_ =	shalt  }
0x50: {  	_ =	shalt  }
0x51: {  	_ =	shalt  }
0x52: {  	_ =	shalt  }
0x53: {  	_ =	shalt  }
0x54: {  	_ =	shalt  }
0x55: {  	_ =	shalt  }
0x56: {  	_ =	shalt  }
0x57: {  	_ =	shalt  }
0x58: {  	_ =	shalt  }
0x59: {  	_ =	shalt  }
0x5a: {  	_ =	shalt  }
0x5b: {  	_ =	shalt  }
0x5c: {  	_ =	shalt  }
0x5d: {  	_ =	shalt  }
0x5e: {  	_ =	shalt  }
0x5f: {  	_ =	shalt  }
0x60: {  	_ =	shalt  }
0x61: {  	_ =	shalt  }
0x62: {  	_ =	shalt  }
0x63: {  	_ =	shalt  }
0x64: {  	_ =	shalt  }
0x65: {  	_ =	shalt  }
0x66: {  	_ =	shalt  }
0x67: {  	_ =	shalt  }
0x68: {  	_ =	shalt  }
0x69: {  	_ =	shalt  }
0x6a: {  	_ =	shalt  }
0x6b: {  	_ =	shalt  }
0x6c: {  	_ =	shalt  }
0x6d: {  	_ =	shalt  }
0x6e: {  	_ =	shalt  }
0x6f: {  	_ =	shalt  }
0x70: {  	_ =	shalt  }
0x71: {  	_ =	shalt  }
0x72: {  	_ =	shalt  }
0x73: {  	_ =	shalt  }
0x74: {  	_ =	shalt  }
0x75: {  	_ =	shalt  }
0x76: {  	_ =	shalt  }
0x77: {  	_ =	shalt  }
0x78: {  	_ =	shalt  }
0x79: {  	_ =	shalt  }
0x7a: {  	_ =	shalt  }
0x7b: {  	_ =	shalt  }
0x7c: {  	_ =	shalt  }
0x7d: {  	_ =	shalt  }
0x7e: {  	_ =	shalt  }
0x7f: {  	_ =	shalt  }
0x80: {  	_ =	shalt  }
0x81: {  	_ =	shalt  }
0x82: {  	_ =	shalt  }
0x83: {  	_ =	shalt  }
0x84: {  	_ =	shalt  }
0x85: {  	_ =	shalt  }
0x86: {  	_ =	shalt  }
0x87: {  	_ =	shalt  }
.Lfunc_end0:
.L_simem_size_0:
called_computation_lowered:
.L_overlay_start_0:
0x88: {  	s2 =	sld [smem:$0x3FD9]  }
0x89: {  	s3 =	sld [smem:$0x3FFE];
	_ =	sdelay $0x1  }
0x8a: {  	s1 =	srdreg.scid  }
0x8b: {  	s0 =	sand.u32 $0x1, s1  }
0x8c: {  	s17 =	sshll.u32 s0, $0xA;
	s2 =	sadd.s32 s3, s2  }
0x8d: {  	s2 =	sadd.s32 s2, s17  }
0x8e: {  	[smem:$0x3FB8] =	sst s2  }
0x8f: {  	_ = 	snop  }
0x90: {  	s2 =	sld [smem:$0x3FD0];
	(tm) =	ssettm $0x1  }
0x91: {  	s18 =	sld [smem:$0x3FFB];
	_ =	sdelay $0x3  }
0x92: {  	_ =	strace s18  }
0x93: {  	s3 =	sld [smem:$0x3FFC];
	_ =	sdelay $0x3  }
0x94: {  	_ =	strace s3  }
0x95: {  	s3 =	sld [smem:$0x3FFD];
	_ =	sdelay $0x3  }
0x96: {  	_ =	strace s3  }
0x97: {  	_ =	strace $0x8FFFFFFF  }
0x98: {  	s19 =	sld [smem:$0x3FDB];
	_ =	sdelay $0x1  }
0x99: {  	s4 =	simm.s32 $_scs_section_size  }
0x9a: {  	s5 =	simm.s32 $_size__tile_overlayer_lowered;
	s6 =	simm.s32 $_tile_overlayer_lowered  }
0x9b: {  	s22 =	simm.s32 $0x1BFF;
	s21 =	sshll.u32 s6, $0x1;
	s3 =	sadd.s32 s4, s19  }
0x9c: {  	s7 =	simm.s32 $0x0;
	s20 =	sshll.u32 s5, $0x1;
	s5 =	sadd.s32 s21, s3  }
0x9d: {  	[timem:s7], [sflag:s22] =	dma.local [hbm:s5], s20  }
0x9e: {  	_ =	swait.ge [sflag:s22], s20  }
0x9f: {  	s4 =	ssub.s32 $0x0, s20;
	[sflag:s22] =	ssyncset.done $0x0  }
0xa0: {  	[sflag:s22] =	ssyncadd.s32 s4;
	_ =	sdelay $0x1  }
0xa1: {  	s23 =	simm.s32 $0x1B8B  }
0xa2: {  	_ =	swait.ge [sflag:s23], $0x1  }
0xa3: {  	[sflag:s23] =	ssyncset.done $0x0  }
0xa4: {  	s25 =	simm.s32 $0x1B8E;
	s24 =	sld [smem:$0x3FFE];
	[sflag:s23] =	ssyncadd.s32 $0xFFFFFFFF  }
0xa5: {  	s26 =	simm.s32 $execute0_lowered;
	[smem:$0x3FD2] =	sst s25  }
0xa6: {  	s5 =	sshll.u32 s26, $0x1;
	_ =	strace $0x80000046;
	[dreg:$0x1] =	wrdreg $0xFFFFFFFF  }
0xa7: {  	s28 =	simm.s32 $_size_execute0_lowered;
	s3 =	sadd.s32 s3, s5;
	[dreg:$0x0] =	wrdreg $0x0  }
0xa8: {  	s5 =	sshll.u32 s28, $0x1;
	[dreg:$0x2] =	wrdreg s3  }
0xa9: {  	[dreg:$0x3] =	wrdreg s5  }
0xaa: {  	[dreg:$0x4] =	wrdreg $0xC0  }
0xab: {  	_ =	task [dreg:s7], $0x5FFFF  }
0xac: {  	[dreg:$0x1] =	wrdreg $0xFFFFFFFF  }
0xad: {  	[dreg:$0x0] =	wrdreg $0x60  }
0xae: {  	[dreg:$0x2] =	wrdreg s2  }
0xaf: {  	[dreg:$0x3] =	wrdreg s24  }
0xb0: {  	[dreg:$0x4] =	wrdreg $0x120000  }
0xb1: {  	[dreg:$0x5] =	wrdreg $0x9  }
0xb2: {  	_ =	task.clear_ibuf [dreg:s7], $0x6FFFF;
	_ =	strace $0x90000046  }
0xb3: {  	s29 =	simm.s32 $0x9;
	_ =	strace $0x80000048  }
0xb4: {  	_ =	swait.ge [sflag:s29], $0x1  }
0xb5: {  	[sflag:s29] =	ssyncadd.s32 $0xFFFFFFFF  }
0xb6: {  	_ =	strace $0x90000048  }
0xb7: {  	_ =	sfence  }
0xb8: {  	s30 =	sld [smem:$0x0];
	_ =	sdelay $0x2  }
0xb9: {  	s31 =	sshll.u32 s1, $0xD;
	s1 =	sshrl.u32 s1, $0x2  }
0xba: {  	s3 =	sand.u32 $0x4000, s31;
	s1 =	sadd.s32 s1, s30  }
0xbb: {  	s0 =	sor.u32 s3, s0;
	s1 =	sshll.u32 s1, $0x11  }
0xbc: {  	s0 =	sor.u32 s1, s0  }
0xbd: {  	s0 =	sadd.s32 $0x8F2B, s0  }
0xbe: {  	[sflag:s0] =	ssyncadd.remote.s32 $0x1  }
0xbf: {  	_ =	sfence.sel $0xFFFF  }
0xc0: {  	[dreg:$0x0] =	wrdreg $0xFFFFFFFF;
	(pc) =	sbr.abs _section_cstart, $3  }
0xc1: {  	[dreg:$0x1] =	wrdreg $0xFFFFFFFF  }
0xc2: {  	_ =	task.clear_ibuf [dreg:s7], $0x2FFFF;
	_ =	strace $0x9FFFFFFF  }
0xc3: {  	(tm) =	ssettm $0x7FFFFFFF  }
tec
execute0_lowered:
.L_overlay_start_1:
0x0: {  	(tag) =	ssettag $0x1  }
0x1: {  	s0 =	rddreg [dreg:$0x0]  }
0x2: {  	s1 =	rddreg [dreg:$0x1];
	s12 =	stileid.u32  }
0x3: {  	s3 =	srdreg.scid;
	s2 =	rddreg [dreg:$0x2]  }
0x4: {  	s11 =	simm.s32 $0x5000;
	s14 =	simm.s32 $0x80;
	s15 =	simm.s32 $0xA000  }
0x5: {  	s16 =	simm.s32 $0xC000;
	s17 =	simm.s32 $0x100;
	s18 =	simm.s32 $0xE000  }
0x6: {  	s19 =	simm.s32 $0x1;
	s21 =	simm.s32 $0x10000;
	s22 =	simm.s32 $0x2  }
0x7: {  	s23 =	simm.s32 $0x5;
	s24 =	simm.s32 $0x3;
	s4 =	smul.u32 $0xA00, s12  }
0x8: {  	s28 =	simm.s32 $0x7;
	s29 =	simm.s32 $0x8;
	s6 =	smul.u32 $0x9E00, s12  }
0x9: {  	s5 =	sand.u32 $0x1, s3;
	s3 =	simm.s32 $0x0;
	s31 =	sshll.u32 s12, $0x6  }
0xa: {  	s7 =	smul.u32 $0x9E000, s5;
	[smem:$0x7FF] =	sst s3;
	s9 =	ssub.s32 $0x2, s5  }
0xb: {  	s10 =	smul.u32 $0x13880, s5;
	s12 =	sor.u32 $0x1C09, s31;
	_ =	strace $0x80000047  }
0xc: {  	s8 =	sadd.s32 s4, s1;
	s26 =	sshrl.u32 s6, $0x3;
	s30 =	sshrl.u32 s9, $0x1  }
0xd: {  	s13 =	sadd.s32 s6, s2;
	s25 =	sadd.s32 s6, s7;
	s7 =	sadd.s32 s26, s1  }
0xe: {  	s9 =	ssub.s32 s9, s30;
	s5 =	sadd.s32 $0x1E00, s8;
	s13 =	sshrl.u32 s13, $0x3  }
0xf: {  	s26 =	simm.s32 $0x4;
	s4 =	sshrl.u32 s25, $0x3;
	s6 =	sadd.s32 $0x15E00, s7  }
0x10: {  	s7 =	sadd.s32 s0, s10;
	s9 =	smax.u32 s9, $0x1;
	s10 =	simm.s32 $0x9  }
0x11: {  	s25 =	simm.s32 $0x6;
	s0 =	simm.s32 $0x0;
	s1 =	sadd.s32 s4, s1  }
0x12: {  	s4 =	sadd.s32 $0xBE00, s8;
	s8 =	sadd.s32 $0x29A00, s1;
	s1 =	simm.s32 $0x9F80  }
.LBB2_1:
0x13: {  	[tilespmem:s3], [sflag:$0x9] =	stream.linear.gather [hbm4b:s4+s3], $0x5000, $0x38;
	[tilespmem:$0x1BE00] =	vst v63  }
0x14: {  	_ =	swait.ge [sflag:s10], $0x5000  }
0x15: {  	[sflag:s10] =	ssyncset.done $0x0  }
0x16: {  	[sflag:s10] =	ssyncadd.s32 $0xFFFFB000  }
0x17: {  	[tilespmem:s11], [sflag:$0x9] =	stream.linear.gather [hbm4b:s5+s3], $0x5000, $0x38;
	[tilespmem:$0x1BE00] =	vst v63  }
0x18: {  	_ =	swait.ge [sflag:s10], $0x5000  }
0x19: {  	[sflag:s10] =	ssyncset.done $0x0  }
0x1a: {  	[sflag:s10] =	ssyncadd.s32 $0xFFFFB000  }
0x1b: {  	[spmem:s13], [sflag:s12] =	dma.local [hbm:s6], $0x13C0  }
0x1c: {  	_ =	swait.ge [sflag:s10], $0x13C0  }
0x1d: {  	[sflag:s10] =	ssyncset.done $0x0  }
0x1e: {  	[sflag:s10] =	ssyncadd.s32 $0xFFFFEC40  }
0x1f: {  	[bflag:$0x0] =	sbarrier.arrive $0xFFFF  }
0x20: {  	[tilespmem:s15], [sflag:$0x1] =	stream.indirect.gather [hbm4b:s7+s14], $0x40, s3, s14, $0xb8;
	[tilespmem:$0x1BE00] =	vst v63  }
0x21: {  	_ = 	snop  }
0x22: {  	[tilespmem:s16], [sflag:$0x2] =	stream.indirect.gather [hbm4b:s7+s14], $0x40, s14, s14, $0xb8;
	[tilespmem:$0x1BE00] =	vst v63  }
0x23: {  	_ = 	snop  }
0x24: {  	[tilespmem:s18], [sflag:$0x3] =	stream.indirect.gather [hbm4b:s7+s14], $0x40, s17, s14, $0xb8;
	[tilespmem:$0x1BE00] =	vst v63  }
0x25: {  	_ =	swait.ge [sflag:s19], $0x2000  }
0x26: {  	[sflag:s19] =	ssyncset.done $0x0  }
0x27: {  	[sflag:s19] =	ssyncadd.s32 $0xFFFFE000  }
0x28: {  	[spmem:s2] =	stream.indirect.scatter.add.f32 [tilespmem:s15], [sflag:$0x5], $0x40, s11, s14, $0xb8;
	[tilespmem:$0x1BE00] =	vst v63  }
0x29: {  	s20 =	simm.s32 $0x180  }
0x2a: {  	[tilespmem:s21], [sflag:$0x4] =	stream.indirect.gather [hbm4b:s7+s14], $0x40, s20, s14, $0xb8;
	[tilespmem:$0x1BE00] =	vst v63  }
0x2b: {  	_ =	swait.ge [sflag:s22], $0x2000  }
0x2c: {  	[sflag:s22] =	ssyncset.done $0x0  }
0x2d: {  	s31 =	simm.s32 $0x5080;
	[sflag:s22] =	ssyncadd.s32 $0xFFFFE000  }
0x2e: {  	[spmem:s2] =	stream.indirect.scatter.add.f32 [tilespmem:s16], [sflag:$0x6], $0x40, s31, s14, $0xb8;
	[tilespmem:$0x1BE00] =	vst v63  }
0x2f: {  	_ =	swait.ge [sflag:s23], $0x2000  }
0x30: {  	[sflag:s23] =	ssyncset.done $0x0  }
0x31: {  	s31 =	simm.s32 $0x200;
	[sflag:s23] =	ssyncadd.s32 $0xFFFFE000  }
0x32: {  	[tilespmem:s15], [sflag:$0x1] =	stream.indirect.gather [hbm4b:s7+s14], $0x40, s31, s14, $0xb8;
	[tilespmem:$0x1BE00] =	vst v63  }
0x33: {  	_ =	swait.ge [sflag:s24], $0x2000  }
0x34: {  	[sflag:s24] =	ssyncset.done $0x0  }
0x35: {  	s31 =	simm.s32 $0x5100;
	[sflag:s24] =	ssyncadd.s32 $0xFFFFE000  }
0x36: {  	[spmem:s2] =	stream.indirect.scatter.add.f32 [tilespmem:s18], [sflag:$0x7], $0x40, s31, s14, $0xb8;
	[tilespmem:$0x1BE00] =	vst v63  }
0x37: {  	_ =	swait.ge [sflag:s25], $0x2000  }
0x38: {  	[sflag:s25] =	ssyncset.done $0x0  }
0x39: {  	s31 =	simm.s32 $0x280;
	[sflag:s25] =	ssyncadd.s32 $0xFFFFE000  }
0x3a: {  	[tilespmem:s16], [sflag:$0x2] =	stream.indirect.gather [hbm4b:s7+s14], $0x40, s31, s14, $0xb8;
	[tilespmem:$0x1BE00] =	vst v63  }
0x3b: {  	_ =	swait.ge [sflag:s26], $0x2000  }
0x3c: {  	[sflag:s26] =	ssyncset.done $0x0  }
0x3d: {  	s31 =	simm.s32 $0x5180;
	[sflag:s26] =	ssyncadd.s32 $0xFFFFE000  }
0x3e: {  	[spmem:s2] =	stream.indirect.scatter.add.f32 [tilespmem:s21], [sflag:$0x8], $0x40, s31, s14, $0xb8;
	[tilespmem:$0x1BE00] =	vst v63  }
0x3f: {  	_ =	swait.ge [sflag:s28], $0x2000  }
0x40: {  	[sflag:s28] =	ssyncset.done $0x0  }
0x41: {  	s31 =	simm.s32 $0x300;
	[sflag:s28] =	ssyncadd.s32 $0xFFFFE000  }
0x42: {  	[tilespmem:s18], [sflag:$0x3] =	stream.indirect.gather [hbm4b:s7+s14], $0x40, s31, s14, $0xb8;
	[tilespmem:$0x1BE00] =	vst v63  }
0x43: {  	_ =	swait.ge [sflag:s19], $0x2000  }
0x44: {  	[sflag:s19] =	ssyncset.done $0x0  }
0x45: {  	s31 =	simm.s32 $0x5200;
	[sflag:s19] =	ssyncadd.s32 $0xFFFFE000  }
0x46: {  	[spmem:s2] =	stream.indirect.scatter.add.f32 [tilespmem:s15], [sflag:$0x5], $0x40, s31, s14, $0xb8;
	[tilespmem:$0x1BE00] =	vst v63  }
0x47: {  	_ =	swait.ge [sflag:s29], $0x2000  }
0x48: {  	[sflag:s29] =	ssyncset.done $0x0  }
0x49: {  	s30 =	simm.s32 $0x380;
	s20 =	simm.s32 $0x800;
	[sflag:s29] =	ssyncadd.s32 $0xFFFFE000  }
.LBB2_2:
0x4a: {  	[tilespmem:s21], [sflag:$0x4] =	stream.indirect.gather [hbm4b:s7+s14], $0x40, s30, s14, $0xb8;
	[tilespmem:$0x1BE00] =	vst v63  }
0x4b: {  	s30 =	smov.u32 s20  }
0x4c: {  	p0 =	sne.s32 s20, $0x13000;
	s20 =	sadd.s32 $0x800, s20;
	_ =	swait.ge [sflag:s22], $0x2000  }
0x4d: {  	s30 =	sshra.s32 s30, $0x2;
	[sflag:s22] =	ssyncset.done $0x0  }
0x4e: {  	s31 =	sadd.s32 $0x5080, s30;
	[sflag:s22] =	ssyncadd.s32 $0xFFFFE000  }
0x4f: {  	[spmem:s2] =	stream.indirect.scatter.add.f32 [tilespmem:s16], [sflag:$0x6], $0x40, s31, s14, $0xb8;
	[tilespmem:$0x1BE00] =	vst v63  }
0x50: {  	_ =	swait.ge [sflag:s23], $0x2000  }
0x51: {  	[sflag:s23] =	ssyncset.done $0x0  }
0x52: {  	s31 =	sadd.s32 $0x200, s30;
	[sflag:s23] =	ssyncadd.s32 $0xFFFFE000  }
0x53: {  	[tilespmem:s15], [sflag:$0x1] =	stream.indirect.gather [hbm4b:s7+s14], $0x40, s31, s14, $0xb8;
	[tilespmem:$0x1BE00] =	vst v63  }
0x54: {  	_ =	swait.ge [sflag:s24], $0x2000  }
0x55: {  	[sflag:s24] =	ssyncset.done $0x0  }
0x56: {  	s31 =	sadd.s32 $0x5100, s30;
	[sflag:s24] =	ssyncadd.s32 $0xFFFFE000  }
0x57: {  	[spmem:s2] =	stream.indirect.scatter.add.f32 [tilespmem:s18], [sflag:$0x7], $0x40, s31, s14, $0xb8;
	[tilespmem:$0x1BE00] =	vst v63  }
0x58: {  	_ =	swait.ge [sflag:s25], $0x2000  }
0x59: {  	[sflag:s25] =	ssyncset.done $0x0  }
0x5a: {  	s31 =	sadd.s32 $0x280, s30;
	[sflag:s25] =	ssyncadd.s32 $0xFFFFE000  }
0x5b: {  	[tilespmem:s16], [sflag:$0x2] =	stream.indirect.gather [hbm4b:s7+s14], $0x40, s31, s14, $0xb8;
	[tilespmem:$0x1BE00] =	vst v63  }
0x5c: {  	_ =	swait.ge [sflag:s26], $0x2000  }
0x5d: {  	[sflag:s26] =	ssyncset.done $0x0  }
0x5e: {  	s31 =	sadd.s32 $0x5180, s30;
	[sflag:s26] =	ssyncadd.s32 $0xFFFFE000  }
0x5f: {  	[spmem:s2] =	stream.indirect.scatter.add.f32 [tilespmem:s21], [sflag:$0x8], $0x40, s31, s14, $0xb8;
	[tilespmem:$0x1BE00] =	vst v63  }
0x60: {  	_ =	swait.ge [sflag:s28], $0x2000  }
0x61: {  	[sflag:s28] =	ssyncset.done $0x0  }
0x62: {  	s31 =	sadd.s32 $0x300, s30;
	[sflag:s28] =	ssyncadd.s32 $0xFFFFE000  }
0x63: {  	[tilespmem:s18], [sflag:$0x3] =	stream.indirect.gather [hbm4b:s7+s14], $0x40, s31, s14, $0xb8;
	[tilespmem:$0x1BE00] =	vst v63  }
0x64: {  	_ =	swait.ge [sflag:s19], $0x2000  }
0x65: {  	[sflag:s19] =	ssyncset.done $0x0  }
.Ltmp0:
0x66: {  	s31 =	sadd.s32 $0x5200, s30;
	[sflag:s19] =	ssyncadd.s32 $0xFFFFE000;
	(pc) =	sbr.rel @p0 .LBB2_2-.Ltmp0, $4  }
0x67: {  	[spmem:s2] =	stream.indirect.scatter.add.f32 [tilespmem:s15], [sflag:$0x5], $0x40, s31, s14, $0xb8;
	[tilespmem:$0x1BE00] =	vst v63  }
0x68: {  	_ =	swait.ge [sflag:s29], $0x2000  }
0x69: {  	[sflag:s29] =	ssyncset.done $0x0  }
0x6a: {  	s30 =	sadd.s32 $0x380, s30;
	[sflag:s29] =	ssyncadd.s32 $0xFFFFE000  }
0x6b: {  	[tilespmem:s21], [sflag:$0x4] =	stream.indirect.gather [hbm4b:s7+s14], $0x40, s30, s14, $0xb8;
	[tilespmem:$0x1BE00] =	vst v63  }
0x6c: {  	_ =	swait.ge [sflag:s22], $0x2000  }
0x6d: {  	[sflag:s22] =	ssyncset.done $0x0  }
0x6e: {  	s20 =	simm.s32 $0x9E80;
	[sflag:s22] =	ssyncadd.s32 $0xFFFFE000  }
0x6f: {  	[spmem:s2] =	stream.indirect.scatter.add.f32 [tilespmem:s16], [sflag:$0x6], $0x40, s20, s14, $0xb8;
	[tilespmem:$0x1BE00] =	vst v63  }
0x70: {  	_ =	swait.ge [sflag:s23], $0x2000  }
0x71: {  	[sflag:s23] =	ssyncset.done $0x0  }
0x72: {  	[sflag:s23] =	ssyncadd.s32 $0xFFFFE000  }
0x73: {  	[tilespmem:s15], [sflag:$0x1] =	stream.indirect.gather [hbm4b:s7+s14], $0x40, s3, s14, $0xb8;
	[tilespmem:$0x1BE00] =	vst v63  }
0x74: {  	_ =	swait.ge [sflag:s24], $0x2000  }
0x75: {  	[sflag:s24] =	ssyncset.done $0x0  }
0x76: {  	s31 =	simm.s32 $0x9F00;
	[sflag:s24] =	ssyncadd.s32 $0xFFFFE000  }
0x77: {  	[spmem:s2] =	stream.indirect.scatter.add.f32 [tilespmem:s18], [sflag:$0x7], $0x40, s31, s14, $0xb8;
	[tilespmem:$0x1BE00] =	vst v63  }
0x78: {  	_ =	swait.ge [sflag:s25], $0x2000  }
0x79: {  	[sflag:s25] =	ssyncset.done $0x0  }
0x7a: {  	[sflag:s25] =	ssyncadd.s32 $0xFFFFE000  }
0x7b: {  	[tilespmem:s16], [sflag:$0x2] =	stream.indirect.gather [hbm4b:s7+s14], $0x40, s14, s14, $0xb8;
	[tilespmem:$0x1BE00] =	vst v63  }
0x7c: {  	_ =	swait.ge [sflag:s26], $0x2000  }
0x7d: {  	[sflag:s26] =	ssyncset.done $0x0  }
0x7e: {  	[sflag:s26] =	ssyncadd.s32 $0xFFFFE000  }
0x7f: {  	[spmem:s2] =	stream.indirect.scatter.add.f32 [tilespmem:s21], [sflag:$0x8], $0x40, s1, s14, $0xb8;
	[tilespmem:$0x1BE00] =	vst v63  }
0x80: {  	_ =	swait.ge [sflag:s28], $0x2000  }
0x81: {  	[sflag:s28] =	ssyncset.done $0x0  }
0x82: {  	[sflag:s28] =	ssyncadd.s32 $0xFFFFE000  }
0x83: {  	[tilespmem:s18], [sflag:$0x3] =	stream.indirect.gather [hbm4b:s7+s14], $0x40, s17, s14, $0xb8;
	[tilespmem:$0x1BE00] =	vst v63  }
0x84: {  	_ =	swait.ge [sflag:s29], $0x2000  }
0x85: {  	[sflag:s29] =	ssyncset.done $0x0  }
0x86: {  	[sflag:s29] =	ssyncadd.s32 $0xFFFFE000  }
0x87: {  	_ =	swait.ge [sflag:s19], $0x2000  }
0x88: {  	[sflag:s19] =	ssyncset.done $0x0  }
0x89: {  	[sflag:s19] =	ssyncadd.s32 $0xFFFFE000  }
0x8a: {  	_ =	swait.ge [sflag:s22], $0x2000  }
0x8b: {  	[sflag:s22] =	ssyncset.done $0x0  }
0x8c: {  	[sflag:s22] =	ssyncadd.s32 $0xFFFFE000  }
0x8d: {  	_ =	swait.ge [sflag:s24], $0x2000  }
0x8e: {  	s0 =	sadd.s32 $0x1, s0;
	[sflag:s24] =	ssyncset.done $0x0  }
0x8f: {  	p0 =	sne.s32 s0, s9;
	[sflag:s24] =	ssyncadd.s32 $0xFFFFE000  }
.Ltmp1:
0x90: {  	[bflag:$0x0] =	sbarrier.arrive $0xFFFF;
	(pc) =	sbr.rel @p0 .LBB2_1-.Ltmp1, $4  }
0x91: {  	[hbm:s8], [sflag:s12] =	dma.local [spmem:s13], $0x13C0  }
0x92: {  	_ =	swait.ge [sflag:s10], $0x13C0  }
0x93: {  	[sflag:s10] =	ssyncset.done $0x0  }
0x94: {  	[sflag:s10] =	ssyncadd.s32 $0xFFFFEC40  }
0x95: {  	_ =	sfence.sel $0x180000  }
0x96: {  	[bflag:$0x0] =	sbarrier.arrive $0xFFFF  }
0x97: {  	_ =	strace $0x90000047  }
0x98: {  	s0 =	stileid.u32;
	[bflag:$0x2] =	sbarrier.arrive $0xFFFF  }
0x99: {  	p0 =	sne.s32 s0, $0x0;
	s0 =	rddreg [dreg:$0x3]  }
0x9a: {  	s0 =	sadd.s32 @!p0 $0x100000, s0  }
0x9b: {  	[sflag:s0] =	ssyncadd.tile.s32 @!p0 $0x1;
	_ =	shalt  }
.Lfunc_end2:
_tile_overlayer_lowered:
.L_overlay_start_2:
0x9c: {  	(tag) =	ssettag $0x2  }
0x9d: {  	s0 =	rddreg [dreg:$0x0];
	s2 =	stileid.u32  }
0x9e: {  	s1 =	rddreg [dreg:$0x1];
	p0 =	sne.s32 s2, $0x0  }
0x9f: {  	s3 =	rddreg [dreg:$0x2];
	[bflag:$0x3] =	sbarrier.arrive $0xFFFF;
	s2 =	simm.s32 @!p0 $0x1C09  }
0xa0: {  	[timem:s3], [sflag:s2] =	dma.local @!p0 [hbm:s0], s1  }
0xa1: {  	s0 =	simm.s32 @!p0 $0x9  }
0xa2: {  	_ =	swait.ge @!p0 [sflag:s0], s1  }
0xa3: {  	s1 =	ssub.s32 @!p0 $0x0, s1;
	[sflag:s0] =	ssyncset.done @!p0 $0x0  }
0xa4: {  	[sflag:s0] =	ssyncadd.s32 @!p0 s1  }
0xa5: {  	[bflag:$0x3] =	sbarrier.arrive $0xFFFF  }
0xa6: {  	_ =	shalt  }

</sc_bundles>
